<compile_context>
chip_gen: v7x
topology: tpu7x:2x2x1
jax: 0.10.2.dev20260603
libtpu: 0.0.44.dev20260713+nightly
codegen_flags: <defaults>
</compile_context>

<pallas_src>
import functools

import jax
import jax.numpy as jnp
from jax import lax
from jax.experimental import pallas as pl
from jax.experimental.pallas import tpu as pltpu
from jax.experimental.pallas import tpu_sc as plsc

_V = 100000
_N = 4
_E = 512
_B = 4096

_info = plsc.get_sparse_core_info()
_NW = _info.num_cores * _info.num_subcores
_BPW = _B // _NW
_C = 8
_NCH = _BPW // _C
_NBUF = 6

_mesh = plsc.VectorSubcoreMesh(core_axis_name="c", subcore_axis_name="s")


@functools.partial(
    pl.kernel,
    mesh=_mesh,
    out_type=jax.ShapeDtypeStruct((_B, _N, _E), jnp.float32),
    scratch_types=[
        pltpu.VMEM((_BPW,), jnp.int32),
        pltpu.VMEM((_NBUF, _C, _N, _E), jnp.float32),
        pltpu.SemaphoreType.DMA((_NBUF,)),
        pltpu.SemaphoreType.DMA((_NBUF,)),
    ],
)
def _gather_kernel(pids_hbm, ctx_hbm, out_hbm, idx_v, bufs, gsems, wsems):
    wid = lax.axis_index("c") * _info.num_subcores + lax.axis_index("s")
    base = wid * _BPW

    pltpu.sync_copy(pids_hbm.at[pl.ds(base, _BPW)], idx_v)

    gathers = [None] * _NCH
    writes = [None] * _NCH

    def start_gather(c):
        gathers[c] = pltpu.async_copy(
            ctx_hbm.at[idx_v.at[pl.ds(c * _C, _C)]],
            bufs.at[c % _NBUF],
            gsems.at[c % _NBUF],
        )

    for c in range(min(_NBUF - 1, _NCH)):
        start_gather(c)
    for c in range(_NCH):
        if c + _NBUF - 1 < _NCH:
            if c >= 1:
                writes[c - 1].wait()
            start_gather(c + _NBUF - 1)
        gathers[c].wait()
        writes[c] = pltpu.async_copy(
            bufs.at[c % _NBUF],
            out_hbm.at[pl.ds(base + c * _C, _C)],
            wsems.at[c % _NBUF],
        )
    for c in range(max(0, _NCH - _NBUF + 1), _NCH):
        writes[c].wait()


def kernel(pids, ctx):
    return _gather_kernel(pids.astype(jnp.int32), ctx)

# --- scband reference (transcript-rebuilt; emitter-appended) ---
"""Pipeline reference for scband-co-op-context-learner-63453846831113 (READ-ONLY COPY).

The authoritative reference and input builder live on the scoring server;
editing this copy changes nothing except your own understanding.
"""

import jax, jax.numpy as jnp
import numpy as np

NUM_CLASSES = 100000
N_CTX = 4
CTX_DIM = 512
BATCH = 4096

def setup_inputs(seed: int = 0) -> dict:
    key = jax.random.key(seed)
    k1, k2 = jax.random.split(key)
    pids = jax.random.randint(k1, (BATCH,), 0, NUM_CLASSES, dtype=jnp.int64 if jax.config.jax_enable_x64 else jnp.int32)
    ctx = jax.random.normal(k2, (NUM_CLASSES, N_CTX, CTX_DIM), dtype=jnp.float32) * 0.02
    return {"pids": pids, "ctx": ctx}

def reference(pids, ctx):
    # CoOp class-specific context lookup: ctx[pids] -> [B, n_ctx, ctx_dim]
    return jnp.take(ctx, pids, axis=0)

if __name__ == "__main__":
    import jax
    _d = setup_inputs()
    print(jax.jit(kernel)(*tuple(_d.values())))

</pallas_src>

<mosaic_0001>
#map = affine_map<(d0, d1) -> (0)>
#map1 = affine_map<(d0, d1) -> (0, 0, 0)>
module attributes {stable_mosaic.version = 14 : i64} {
  func.func @_gather_kernel(%arg0: i32, %arg1: i32, %arg2: memref<4096xi32, #tpu.memory_space<hbm>>, %arg3: memref<100000x4x512xf32, #tpu.memory_space<hbm>>, %arg4: memref<4096x4x512xf32, #tpu.memory_space<hbm>>, %arg5: memref<128xi32, #tpu.memory_space<vmem>>, %arg6: memref<6x8x4x512xf32, #tpu.memory_space<vmem>>, %arg7: memref<6x!tpu.dma_semaphore, #tpu.memory_space<semaphore_mem>>, %arg8: memref<6x!tpu.dma_semaphore, #tpu.memory_space<semaphore_mem>>) attributes {dimension_semantics = [#tpu.dimension_semantics<core_parallel>, #tpu.dimension_semantics<subcore_parallel>], iteration_bounds = array<i64: 2, 16>, scalar_prefetch = 0 : i64, scratch_operands = 4 : i64, tpu.core_type = #tpu.core_type<sc_vector_subcore>, window_params = [{transform_indices = #map}, {transform_indices = #map1}, {transform_indices = #map1}]} {
    %mul3A = arith.constant 16 : i32
    %mul3A_0 = arith.muli %arg0, %mul3A : i32
    %add3A = arith.addi %mul3A_0, %arg1 : i32
    %mul3A_1 = arith.constant 128 : i32
    %mul3A_2 = arith.muli %add3A, %mul3A_1 : i32
    "tpu.region"() ({
      %run_scoped3A = tpu.sem_alloc : memref<!tpu.dma_semaphore, #tpu.memory_space<semaphore_mem>>
      %dma_start3A_1133 = tpu.memref_slice %arg2[%mul3A_2] : memref<4096xi32, #tpu.memory_space<hbm>> -> memref<128xi32, #tpu.memory_space<hbm>>
      %dma_start3A_1134 = tpu.memref_slice %arg2[%mul3A_2] : memref<4096xi32, #tpu.memory_space<hbm>> -> memref<128xi32, #tpu.memory_space<hbm>>
      tpu.enqueue_dma source(%dma_start3A_1134 : memref<128xi32, #tpu.memory_space<hbm>>) target(%arg5 : memref<128xi32, #tpu.memory_space<vmem>>) target_semaphore(%run_scoped3A : memref<!tpu.dma_semaphore, #tpu.memory_space<semaphore_mem>>)
      %dma_wait3A_1135 = tpu.memref_slice %arg2[%mul3A_2] : memref<4096xi32, #tpu.memory_space<hbm>> -> memref<128xi32, #tpu.memory_space<hbm>>
      %dma_wait3A_1136 = tpu.memref_slice %arg2[%mul3A_2] : memref<4096xi32, #tpu.memory_space<hbm>> -> memref<128xi32, #tpu.memory_space<hbm>>
      tpu.wait_dma2 semaphore(%run_scoped3A : memref<!tpu.dma_semaphore, #tpu.memory_space<semaphore_mem>>) src(%dma_wait3A_1136 : memref<128xi32, #tpu.memory_space<hbm>>) dst(%arg5 : memref<128xi32, #tpu.memory_space<vmem>>)
      tpu.yield
    }) : () -> ()
    %dma_start3A = arith.constant 0 : i32
    %dma_start3A_3 = arith.constant 0 : i32
    %dma_start3A_4 = arith.constant 0 : i32
    %dma_start3A_5 = arith.constant 0 : i32
    %dma_start3A_6 = arith.constant 0 : i32
    %dma_start3A_7 = tpu.memref_slice %arg6[%dma_start3A, %dma_start3A_4, %dma_start3A_5, %dma_start3A_6] : memref<6x8x4x512xf32, #tpu.memory_space<vmem>> -> memref<1x8x4x512xf32, #tpu.memory_space<vmem>>
    %dma_start3A_8 = tpu.memref_squeeze %dma_start3A_7 : memref<1x8x4x512xf32, #tpu.memory_space<vmem>> -> memref<8x4x512xf32, #tpu.memory_space<vmem>>
    %dma_start3A_9 = arith.constant 0 : i32
    %dma_start3A_10 = tpu.memref_slice %arg5[%dma_start3A_9] : memref<128xi32, #tpu.memory_space<vmem>> -> memref<8xi32, #tpu.memory_space<vmem>>
    %dma_start3A_11 = arith.constant 0 : i32
    %dma_start3A_12 = arith.constant 0 : i32
    %dma_start3A_13 = arith.constant 0 : i32
    %dma_start3A_14 = tpu.memref_slice %arg3[%dma_start3A_11, %dma_start3A_12, %dma_start3A_13] : memref<100000x4x512xf32, #tpu.memory_space<hbm>> -> memref<100000x4x512xf32, #tpu.memory_space<hbm>>
    %dma_start3A_15 = tpu.memref_slice %arg7[%dma_start3A_3] : memref<6x!tpu.dma_semaphore, #tpu.memory_space<semaphore_mem>> -> memref<1x!tpu.dma_semaphore, #tpu.memory_space<semaphore_mem>>
    %dma_start3A_16 = tpu.memref_squeeze %dma_start3A_15 : memref<1x!tpu.dma_semaphore, #tpu.memory_space<semaphore_mem>> -> memref<!tpu.dma_semaphore, #tpu.memory_space<semaphore_mem>>
    tpu.enqueue_indirect_dma source(%dma_start3A_14 : memref<100000x4x512xf32, #tpu.memory_space<hbm>>) target(%dma_start3A_8 : memref<8x4x512xf32, #tpu.memory_space<vmem>>) offsets(%dma_start3A_10 : memref<8xi32, #tpu.memory_space<vmem>>) semaphore(%dma_start3A_16 : memref<!tpu.dma_semaphore, #tpu.memory_space<semaphore_mem>>)
    %dma_start3A_17 = arith.constant 1 : i32
    %dma_start3A_18 = arith.constant 1 : i32
    %dma_start3A_19 = arith.constant 0 : i32
    %dma_start3A_20 = arith.constant 0 : i32
    %dma_start3A_21 = arith.constant 0 : i32
    %dma_start3A_22 = tpu.memref_slice %arg6[%dma_start3A_17, %dma_start3A_19, %dma_start3A_20, %dma_start3A_21] : memref<6x8x4x512xf32, #tpu.memory_space<vmem>> -> memref<1x8x4x512xf32, #tpu.memory_space<vmem>>
    %dma_start3A_23 = tpu.memref_squeeze %dma_start3A_22 : memref<1x8x4x512xf32, #tpu.memory_space<vmem>> -> memref<8x4x512xf32, #tpu.memory_space<vmem>>
    %dma_start3A_24 = arith.constant 8 : i32
    %dma_start3A_25 = tpu.memref_slice %arg5[%dma_start3A_24] : memref<128xi32, #tpu.memory_space<vmem>> -> memref<8xi32, #tpu.memory_space<vmem>>
    %dma_start3A_26 = arith.constant 0 : i32
    %dma_start3A_27 = arith.constant 0 : i32
    %dma_start3A_28 = arith.constant 0 : i32
    %dma_start3A_29 = tpu.memref_slice %arg3[%dma_start3A_26, %dma_start3A_27, %dma_start3A_28] : memref<100000x4x512xf32, #tpu.memory_space<hbm>> -> memref<100000x4x512xf32, #tpu.memory_space<hbm>>
    %dma_start3A_30 = tpu.memref_slice %arg7[%dma_start3A_18] : memref<6x!tpu.dma_semaphore, #tpu.memory_space<semaphore_mem>> -> memref<1x!tpu.dma_semaphore, #tpu.memory_space<semaphore_mem>>
    %dma_start3A_31 = tpu.memref_squeeze %dma_start3A_30 : memref<1x!tpu.dma_semaphore, #tpu.memory_space<semaphore_mem>> -> memref<!tpu.dma_semaphore, #tpu.memory_space<semaphore_mem>>
    tpu.enqueue_indirect_dma source(%dma_start3A_29 : memref<100000x4x512xf32, #tpu.memory_space<hbm>>) target(%dma_start3A_23 : memref<8x4x512xf32, #tpu.memory_space<vmem>>) offsets(%dma_start3A_25 : memref<8xi32, #tpu.memory_space<vmem>>) semaphore(%dma_start3A_31 : memref<!tpu.dma_semaphore, #tpu.memory_space<semaphore_mem>>)
    %dma_start3A_32 = arith.constant 2 : i32
    %dma_start3A_33 = arith.constant 2 : i32
    %dma_start3A_34 = arith.constant 0 : i32
    %dma_start3A_35 = arith.constant 0 : i32
    %dma_start3A_36 = arith.constant 0 : i32
    %dma_start3A_37 = tpu.memref_slice %arg6[%dma_start3A_32, %dma_start3A_34, %dma_start3A_35, %dma_start3A_36] : memref<6x8x4x512xf32, #tpu.memory_space<vmem>> -> memref<1x8x4x512xf32, #tpu.memory_space<vmem>>
    %dma_start3A_38 = tpu.memref_squeeze %dma_start3A_37 : memref<1x8x4x512xf32, #tpu.memory_space<vmem>> -> memref<8x4x512xf32, #tpu.memory_space<vmem>>
    %dma_start3A_39 = arith.constant 16 : i32
    %dma_start3A_40 = tpu.memref_slice %arg5[%dma_start3A_39] : memref<128xi32, #tpu.memory_space<vmem>> -> memref<8xi32, #tpu.memory_space<vmem>>
    %dma_start3A_41 = arith.constant 0 : i32
    %dma_start3A_42 = arith.constant 0 : i32
    %dma_start3A_43 = arith.constant 0 : i32
    %dma_start3A_44 = tpu.memref_slice %arg3[%dma_start3A_41, %dma_start3A_42, %dma_start3A_43] : memref<100000x4x512xf32, #tpu.memory_space<hbm>> -> memref<100000x4x512xf32, #tpu.memory_space<hbm>>
    %dma_start3A_45 = tpu.memref_slice %arg7[%dma_start3A_33] : memref<6x!tpu.dma_semaphore, #tpu.memory_space<semaphore_mem>> -> memref<1x!tpu.dma_semaphore, #tpu.memory_space<semaphore_mem>>
    %dma_start3A_46 = tpu.memref_squeeze %dma_start3A_45 : memref<1x!tpu.dma_semaphore, #tpu.memory_space<semaphore_mem>> -> memref<!tpu.dma_semaphore, #tpu.memory_space<semaphore_mem>>
    tpu.enqueue_indirect_dma source(%dma_start3A_44 : memref<100000x4x512xf32, #tpu.memory_space<hbm>>) target(%dma_start3A_38 : memref<8x4x512xf32, #tpu.memory_space<vmem>>) offsets(%dma_start3A_40 : memref<8xi32, #tpu.memory_space<vmem>>) semaphore(%dma_start3A_46 : memref<!tpu.dma_semaphore, #tpu.memory_space<semaphore_mem>>)
    %dma_start3A_47 = arith.constant 3 : i32
    %dma_start3A_48 = arith.constant 3 : i32
    %dma_start3A_49 = arith.constant 0 : i32
    %dma_start3A_50 = arith.constant 0 : i32
    %dma_start3A_51 = arith.constant 0 : i32
    %dma_start3A_52 = tpu.memref_slice %arg6[%dma_start3A_47, %dma_start3A_49, %dma_start3A_50, %dma_start3A_51] : memref<6x8x4x512xf32, #tpu.memory_space<vmem>> -> memref<1x8x4x512xf32, #tpu.memory_space<vmem>>
    %dma_start3A_53 = tpu.memref_squeeze %dma_start3A_52 : memref<1x8x4x512xf32, #tpu.memory_space<vmem>> -> memref<8x4x512xf32, #tpu.memory_space<vmem>>
    %dma_start3A_54 = arith.constant 24 : i32
    %dma_start3A_55 = tpu.memref_slice %arg5[%dma_start3A_54] : memref<128xi32, #tpu.memory_space<vmem>> -> memref<8xi32, #tpu.memory_space<vmem>>
    %dma_start3A_56 = arith.constant 0 : i32
    %dma_start3A_57 = arith.constant 0 : i32
    %dma_start3A_58 = arith.constant 0 : i32
    %dma_start3A_59 = tpu.memref_slice %arg3[%dma_start3A_56, %dma_start3A_57, %dma_start3A_58] : memref<100000x4x512xf32, #tpu.memory_space<hbm>> -> memref<100000x4x512xf32, #tpu.memory_space<hbm>>
    %dma_start3A_60 = tpu.memref_slice %arg7[%dma_start3A_48] : memref<6x!tpu.dma_semaphore, #tpu.memory_space<semaphore_mem>> -> memref<1x!tpu.dma_semaphore, #tpu.memory_space<semaphore_mem>>
    %dma_start3A_61 = tpu.memref_squeeze %dma_start3A_60 : memref<1x!tpu.dma_semaphore, #tpu.memory_space<semaphore_mem>> -> memref<!tpu.dma_semaphore, #tpu.memory_space<semaphore_mem>>
    tpu.enqueue_indirect_dma source(%dma_start3A_59 : memref<100000x4x512xf32, #tpu.memory_space<hbm>>) target(%dma_start3A_53 : memref<8x4x512xf32, #tpu.memory_space<vmem>>) offsets(%dma_start3A_55 : memref<8xi32, #tpu.memory_space<vmem>>) semaphore(%dma_start3A_61 : memref<!tpu.dma_semaphore, #tpu.memory_space<semaphore_mem>>)
    %dma_start3A_62 = arith.constant 4 : i32
    %dma_start3A_63 = arith.constant 4 : i32
    %dma_start3A_64 = arith.constant 0 : i32
    %dma_start3A_65 = arith.constant 0 : i32
    %dma_start3A_66 = arith.constant 0 : i32
    %dma_start3A_67 = tpu.memref_slice %arg6[%dma_start3A_62, %dma_start3A_64, %dma_start3A_65, %dma_start3A_66] : memref<6x8x4x512xf32, #tpu.memory_space<vmem>> -> memref<1x8x4x512xf32, #tpu.memory_space<vmem>>
    %dma_start3A_68 = tpu.memref_squeeze %dma_start3A_67 : memref<1x8x4x512xf32, #tpu.memory_space<vmem>> -> memref<8x4x512xf32, #tpu.memory_space<vmem>>
    %dma_start3A_69 = arith.constant 32 : i32
    %dma_start3A_70 = tpu.memref_slice %arg5[%dma_start3A_69] : memref<128xi32, #tpu.memory_space<vmem>> -> memref<8xi32, #tpu.memory_space<vmem>>
    %dma_start3A_71 = arith.constant 0 : i32
    %dma_start3A_72 = arith.constant 0 : i32
    %dma_start3A_73 = arith.constant 0 : i32
    %dma_start3A_74 = tpu.memref_slice %arg3[%dma_start3A_71, %dma_start3A_72, %dma_start3A_73] : memref<100000x4x512xf32, #tpu.memory_space<hbm>> -> memref<100000x4x512xf32, #tpu.memory_space<hbm>>
    %dma_start3A_75 = tpu.memref_slice %arg7[%dma_start3A_63] : memref<6x!tpu.dma_semaphore, #tpu.memory_space<semaphore_mem>> -> memref<1x!tpu.dma_semaphore, #tpu.memory_space<semaphore_mem>>
    %dma_start3A_76 = tpu.memref_squeeze %dma_start3A_75 : memref<1x!tpu.dma_semaphore, #tpu.memory_space<semaphore_mem>> -> memref<!tpu.dma_semaphore, #tpu.memory_space<semaphore_mem>>
    tpu.enqueue_indirect_dma source(%dma_start3A_74 : memref<100000x4x512xf32, #tpu.memory_space<hbm>>) target(%dma_start3A_68 : memref<8x4x512xf32, #tpu.memory_space<vmem>>) offsets(%dma_start3A_70 : memref<8xi32, #tpu.memory_space<vmem>>) semaphore(%dma_start3A_76 : memref<!tpu.dma_semaphore, #tpu.memory_space<semaphore_mem>>)
    %dma_start3A_77 = arith.constant 5 : i32
    %dma_start3A_78 = arith.constant 5 : i32
    %dma_start3A_79 = arith.constant 0 : i32
    %dma_start3A_80 = arith.constant 0 : i32
    %dma_start3A_81 = arith.constant 0 : i32
    %dma_start3A_82 = tpu.memref_slice %arg6[%dma_start3A_77, %dma_start3A_79, %dma_start3A_80, %dma_start3A_81] : memref<6x8x4x512xf32, #tpu.memory_space<vmem>> -> memref<1x8x4x512xf32, #tpu.memory_space<vmem>>
    %dma_start3A_83 = tpu.memref_squeeze %dma_start3A_82 : memref<1x8x4x512xf32, #tpu.memory_space<vmem>> -> memref<8x4x512xf32, #tpu.memory_space<vmem>>
    %dma_start3A_84 = arith.constant 40 : i32
    %dma_start3A_85 = tpu.memref_slice %arg5[%dma_start3A_84] : memref<128xi32, #tpu.memory_space<vmem>> -> memref<8xi32, #tpu.memory_space<vmem>>
    %dma_start3A_86 = arith.constant 0 : i32
    %dma_start3A_87 = arith.constant 0 : i32
    %dma_start3A_88 = arith.constant 0 : i32
    %dma_start3A_89 = tpu.memref_slice %arg3[%dma_start3A_86, %dma_start3A_87, %dma_start3A_88] : memref<100000x4x512xf32, #tpu.memory_space<hbm>> -> memref<100000x4x512xf32, #tpu.memory_space<hbm>>
    %dma_start3A_90 = tpu.memref_slice %arg7[%dma_start3A_78] : memref<6x!tpu.dma_semaphore, #tpu.memory_space<semaphore_mem>> -> memref<1x!tpu.dma_semaphore, #tpu.memory_space<semaphore_mem>>
    %dma_start3A_91 = tpu.memref_squeeze %dma_start3A_90 : memref<1x!tpu.dma_semaphore, #tpu.memory_space<semaphore_mem>> -> memref<!tpu.dma_semaphore, #tpu.memory_space<semaphore_mem>>
    tpu.enqueue_indirect_dma source(%dma_start3A_89 : memref<100000x4x512xf32, #tpu.memory_space<hbm>>) target(%dma_start3A_83 : memref<8x4x512xf32, #tpu.memory_space<vmem>>) offsets(%dma_start3A_85 : memref<8xi32, #tpu.memory_space<vmem>>) semaphore(%dma_start3A_91 : memref<!tpu.dma_semaphore, #tpu.memory_space<semaphore_mem>>)
    %dma_wait3A = arith.constant 0 : i32
    %dma_wait3A_92 = arith.constant 0 : i32
    %dma_wait3A_93 = arith.constant 0 : i32
    %dma_wait3A_94 = arith.constant 0 : i32
    %dma_wait3A_95 = arith.constant 0 : i32
    %dma_wait3A_96 = tpu.memref_slice %arg6[%dma_wait3A, %dma_wait3A_93, %dma_wait3A_94, %dma_wait3A_95] : memref<6x8x4x512xf32, #tpu.memory_space<vmem>> -> memref<1x8x4x512xf32, #tpu.memory_space<vmem>>
    %dma_wait3A_97 = tpu.memref_squeeze %dma_wait3A_96 : memref<1x8x4x512xf32, #tpu.memory_space<vmem>> -> memref<8x4x512xf32, #tpu.memory_space<vmem>>
    %dma_wait3A_98 = arith.constant 0 : i32
    %dma_wait3A_99 = tpu.memref_slice %arg5[%dma_wait3A_98] : memref<128xi32, #tpu.memory_space<vmem>> -> memref<8xi32, #tpu.memory_space<vmem>>
    %dma_wait3A_100 = arith.constant 0 : i32
    %dma_wait3A_101 = arith.constant 0 : i32
    %dma_wait3A_102 = arith.constant 0 : i32
    %dma_wait3A_103 = tpu.memref_slice %arg3[%dma_wait3A_100, %dma_wait3A_101, %dma_wait3A_102] : memref<100000x4x512xf32, #tpu.memory_space<hbm>> -> memref<100000x4x512xf32, #tpu.memory_space<hbm>>
    %dma_wait3A_104 = tpu.memref_slice %arg7[%dma_wait3A_92] : memref<6x!tpu.dma_semaphore, #tpu.memory_space<semaphore_mem>> -> memref<1x!tpu.dma_semaphore, #tpu.memory_space<semaphore_mem>>
    %dma_wait3A_105 = tpu.memref_squeeze %dma_wait3A_104 : memref<1x!tpu.dma_semaphore, #tpu.memory_space<semaphore_mem>> -> memref<!tpu.dma_semaphore, #tpu.memory_space<semaphore_mem>>
    tpu.wait_indirect_dma semaphore(%dma_wait3A_105 : memref<!tpu.dma_semaphore, #tpu.memory_space<semaphore_mem>>) src(%dma_wait3A_103 : memref<100000x4x512xf32, #tpu.memory_space<hbm>>) dst(%dma_wait3A_97 : memref<8x4x512xf32, #tpu.memory_space<vmem>>)
    %add3A_106 = arith.constant 0 : i32
    %add3A_107 = arith.addi %mul3A_2, %add3A_106 : i32
    %dma_start3A_108 = arith.constant 0 : i32
    %dma_start3A_109 = arith.constant 0 : i32
    %dma_start3A_110 = arith.constant 0 : i32
    %dma_start3A_111 = arith.constant 0 : i32
    %dma_start3A_112 = arith.constant 0 : i32
    %dma_start3A_113 = tpu.memref_slice %arg6[%dma_start3A_108, %dma_start3A_110, %dma_start3A_111, %dma_start3A_112] : memref<6x8x4x512xf32, #tpu.memory_space<vmem>> -> memref<1x8x4x512xf32, #tpu.memory_space<vmem>>
    %dma_start3A_114 = tpu.memref_squeeze %dma_start3A_113 : memref<1x8x4x512xf32, #tpu.memory_space<vmem>> -> memref<8x4x512xf32, #tpu.memory_space<vmem>>
    %dma_start3A_115 = arith.constant 0 : i32
    %dma_start3A_116 = arith.constant 0 : i32
    %dma_start3A_117 = tpu.memref_slice %arg4[%add3A_107, %dma_start3A_115, %dma_start3A_116] : memref<4096x4x512xf32, #tpu.memory_space<hbm>> -> memref<8x4x512xf32, #tpu.memory_space<hbm>>
    %dma_start3A_118 = tpu.memref_slice %arg8[%dma_start3A_109] : memref<6x!tpu.dma_semaphore, #tpu.memory_space<semaphore_mem>> -> memref<1x!tpu.dma_semaphore, #tpu.memory_space<semaphore_mem>>
    %dma_start3A_119 = tpu.memref_squeeze %dma_start3A_118 : memref<1x!tpu.dma_semaphore, #tpu.memory_space<semaphore_mem>> -> memref<!tpu.dma_semaphore, #tpu.memory_space<semaphore_mem>>
    %dma_start3A_120 = arith.constant 0 : i32
    %dma_start3A_121 = arith.constant 0 : i32
    %dma_start3A_122 = tpu.memref_slice %arg4[%add3A_107, %dma_start3A_120, %dma_start3A_121] : memref<4096x4x512xf32, #tpu.memory_space<hbm>> -> memref<8x4x512xf32, #tpu.memory_space<hbm>>
    %dma_start3A_123 = arith.constant 0 : i32
    %dma_start3A_124 = arith.constant 0 : i32
    %dma_start3A_125 = arith.constant 0 : i32
    %dma_start3A_126 = tpu.memref_slice %arg6[%dma_start3A_108, %dma_start3A_123, %dma_start3A_124, %dma_start3A_125] : memref<6x8x4x512xf32, #tpu.memory_space<vmem>> -> memref<1x8x4x512xf32, #tpu.memory_space<vmem>>
    %dma_start3A_127 = tpu.memref_squeeze %dma_start3A_126 : memref<1x8x4x512xf32, #tpu.memory_space<vmem>> -> memref<8x4x512xf32, #tpu.memory_space<vmem>>
    tpu.enqueue_dma source(%dma_start3A_127 : memref<8x4x512xf32, #tpu.memory_space<vmem>>) target(%dma_start3A_122 : memref<8x4x512xf32, #tpu.memory_space<hbm>>) target_semaphore(%dma_start3A_119 : memref<!tpu.dma_semaphore, #tpu.memory_space<semaphore_mem>>)
    %dma_wait3A_128 = arith.constant 0 : i32
    %dma_wait3A_129 = arith.constant 0 : i32
    %dma_wait3A_130 = arith.constant 0 : i32
    %dma_wait3A_131 = arith.constant 0 : i32
    %dma_wait3A_132 = arith.constant 0 : i32
    %dma_wait3A_133 = tpu.memref_slice %arg6[%dma_wait3A_128, %dma_wait3A_130, %dma_wait3A_131, %dma_wait3A_132] : memref<6x8x4x512xf32, #tpu.memory_space<vmem>> -> memref<1x8x4x512xf32, #tpu.memory_space<vmem>>
    %dma_wait3A_134 = tpu.memref_squeeze %dma_wait3A_133 : memref<1x8x4x512xf32, #tpu.memory_space<vmem>> -> memref<8x4x512xf32, #tpu.memory_space<vmem>>
    %dma_wait3A_135 = arith.constant 0 : i32
    %dma_wait3A_136 = arith.constant 0 : i32
    %dma_wait3A_137 = tpu.memref_slice %arg4[%add3A_107, %dma_wait3A_135, %dma_wait3A_136] : memref<4096x4x512xf32, #tpu.memory_space<hbm>> -> memref<8x4x512xf32, #tpu.memory_space<hbm>>
    %dma_wait3A_138 = tpu.memref_slice %arg8[%dma_wait3A_129] : memref<6x!tpu.dma_semaphore, #tpu.memory_space<semaphore_mem>> -> memref<1x!tpu.dma_semaphore, #tpu.memory_space<semaphore_mem>>
    %dma_wait3A_139 = tpu.memref_squeeze %dma_wait3A_138 : memref<1x!tpu.dma_semaphore, #tpu.memory_space<semaphore_mem>> -> memref<!tpu.dma_semaphore, #tpu.memory_space<semaphore_mem>>
    %dma_wait3A_140 = arith.constant 0 : i32
    %dma_wait3A_141 = arith.constant 0 : i32
    %dma_wait3A_142 = tpu.memref_slice %arg4[%add3A_107, %dma_wait3A_140, %dma_wait3A_141] : memref<4096x4x512xf32, #tpu.memory_space<hbm>> -> memref<8x4x512xf32, #tpu.memory_space<hbm>>
    %dma_wait3A_143 = arith.constant 0 : i32
    %dma_wait3A_144 = arith.constant 0 : i32
    %dma_wait3A_145 = arith.constant 0 : i32
    %dma_wait3A_146 = tpu.memref_slice %arg6[%dma_wait3A_128, %dma_wait3A_143, %dma_wait3A_144, %dma_wait3A_145] : memref<6x8x4x512xf32, #tpu.memory_space<vmem>> -> memref<1x8x4x512xf32, #tpu.memory_space<vmem>>
    %dma_wait3A_147 = tpu.memref_squeeze %dma_wait3A_146 : memref<1x8x4x512xf32, #tpu.memory_space<vmem>> -> memref<8x4x512xf32, #tpu.memory_space<vmem>>
    tpu.wait_dma2 semaphore(%dma_wait3A_139 : memref<!tpu.dma_semaphore, #tpu.memory_space<semaphore_mem>>) src(%dma_wait3A_147 : memref<8x4x512xf32, #tpu.memory_space<vmem>>) dst(%dma_wait3A_142 : memref<8x4x512xf32, #tpu.memory_space<hbm>>)
    %dma_start3A_148 = arith.constant 0 : i32
    %dma_start3A_149 = arith.constant 0 : i32
    %dma_start3A_150 = arith.constant 0 : i32
    %dma_start3A_151 = arith.constant 0 : i32
    %dma_start3A_152 = arith.constant 0 : i32
    %dma_start3A_153 = tpu.memref_slice %arg6[%dma_start3A_148, %dma_start3A_150, %dma_start3A_151, %dma_start3A_152] : memref<6x8x4x512xf32, #tpu.memory_space<vmem>> -> memref<1x8x4x512xf32, #tpu.memory_space<vmem>>
    %dma_start3A_154 = tpu.memref_squeeze %dma_start3A_153 : memref<1x8x4x512xf32, #tpu.memory_space<vmem>> -> memref<8x4x512xf32, #tpu.memory_space<vmem>>
    %dma_start3A_155 = arith.constant 48 : i32
    %dma_start3A_156 = tpu.memref_slice %arg5[%dma_start3A_155] : memref<128xi32, #tpu.memory_space<vmem>> -> memref<8xi32, #tpu.memory_space<vmem>>
    %dma_start3A_157 = arith.constant 0 : i32
    %dma_start3A_158 = arith.constant 0 : i32
    %dma_start3A_159 = arith.constant 0 : i32
    %dma_start3A_160 = tpu.memref_slice %arg3[%dma_start3A_157, %dma_start3A_158, %dma_start3A_159] : memref<100000x4x512xf32, #tpu.memory_space<hbm>> -> memref<100000x4x512xf32, #tpu.memory_space<hbm>>
    %dma_start3A_161 = tpu.memref_slice %arg7[%dma_start3A_149] : memref<6x!tpu.dma_semaphore, #tpu.memory_space<semaphore_mem>> -> memref<1x!tpu.dma_semaphore, #tpu.memory_space<semaphore_mem>>
    %dma_start3A_162 = tpu.memref_squeeze %dma_start3A_161 : memref<1x!tpu.dma_semaphore, #tpu.memory_space<semaphore_mem>> -> memref<!tpu.dma_semaphore, #tpu.memory_space<semaphore_mem>>
    tpu.enqueue_indirect_dma source(%dma_start3A_160 : memref<100000x4x512xf32, #tpu.memory_space<hbm>>) target(%dma_start3A_154 : memref<8x4x512xf32, #tpu.memory_space<vmem>>) offsets(%dma_start3A_156 : memref<8xi32, #tpu.memory_space<vmem>>) semaphore(%dma_start3A_162 : memref<!tpu.dma_semaphore, #tpu.memory_space<semaphore_mem>>)
    %dma_wait3A_163 = arith.constant 1 : i32
    %dma_wait3A_164 = arith.constant 1 : i32
    %dma_wait3A_165 = arith.constant 0 : i32
    %dma_wait3A_166 = arith.constant 0 : i32
    %dma_wait3A_167 = arith.constant 0 : i32
    %dma_wait3A_168 = tpu.memref_slice %arg6[%dma_wait3A_163, %dma_wait3A_165, %dma_wait3A_166, %dma_wait3A_167] : memref<6x8x4x512xf32, #tpu.memory_space<vmem>> -> memref<1x8x4x512xf32, #tpu.memory_space<vmem>>
    %dma_wait3A_169 = tpu.memref_squeeze %dma_wait3A_168 : memref<1x8x4x512xf32, #tpu.memory_space<vmem>> -> memref<8x4x512xf32, #tpu.memory_space<vmem>>
    %dma_wait3A_170 = arith.constant 8 : i32
    %dma_wait3A_171 = tpu.memref_slice %arg5[%dma_wait3A_170] : memref<128xi32, #tpu.memory_space<vmem>> -> memref<8xi32, #tpu.memory_space<vmem>>
    %dma_wait3A_172 = arith.constant 0 : i32
    %dma_wait3A_173 = arith.constant 0 : i32
    %dma_wait3A_174 = arith.constant 0 : i32
    %dma_wait3A_175 = tpu.memref_slice %arg3[%dma_wait3A_172, %dma_wait3A_173, %dma_wait3A_174] : memref<100000x4x512xf32, #tpu.memory_space<hbm>> -> memref<100000x4x512xf32, #tpu.memory_space<hbm>>
    %dma_wait3A_176 = tpu.memref_slice %arg7[%dma_wait3A_164] : memref<6x!tpu.dma_semaphore, #tpu.memory_space<semaphore_mem>> -> memref<1x!tpu.dma_semaphore, #tpu.memory_space<semaphore_mem>>
    %dma_wait3A_177 = tpu.memref_squeeze %dma_wait3A_176 : memref<1x!tpu.dma_semaphore, #tpu.memory_space<semaphore_mem>> -> memref<!tpu.dma_semaphore, #tpu.memory_space<semaphore_mem>>
    tpu.wait_indirect_dma semaphore(%dma_wait3A_177 : memref<!tpu.dma_semaphore, #tpu.memory_space<semaphore_mem>>) src(%dma_wait3A_175 : memref<100000x4x512xf32, #tpu.memory_space<hbm>>) dst(%dma_wait3A_169 : memref<8x4x512xf32, #tpu.memory_space<vmem>>)
    %add3A_178 = arith.constant 8 : i32
    %add3A_179 = arith.addi %mul3A_2, %add3A_178 : i32
    %dma_start3A_180 = arith.constant 1 : i32
    %dma_start3A_181 = arith.constant 1 : i32
    %dma_start3A_182 = arith.constant 0 : i32
    %dma_start3A_183 = arith.constant 0 : i32
    %dma_start3A_184 = arith.constant 0 : i32
    %dma_start3A_185 = tpu.memref_slice %arg6[%dma_start3A_180, %dma_start3A_182, %dma_start3A_183, %dma_start3A_184] : memref<6x8x4x512xf32, #tpu.memory_space<vmem>> -> memref<1x8x4x512xf32, #tpu.memory_space<vmem>>
    %dma_start3A_186 = tpu.memref_squeeze %dma_start3A_185 : memref<1x8x4x512xf32, #tpu.memory_space<vmem>> -> memref<8x4x512xf32, #tpu.memory_space<vmem>>
    %dma_start3A_187 = arith.constant 0 : i32
    %dma_start3A_188 = arith.constant 0 : i32
    %dma_start3A_189 = tpu.memref_slice %arg4[%add3A_179, %dma_start3A_187, %dma_start3A_188] : memref<4096x4x512xf32, #tpu.memory_space<hbm>> -> memref<8x4x512xf32, #tpu.memory_space<hbm>>
    %dma_start3A_190 = tpu.memref_slice %arg8[%dma_start3A_181] : memref<6x!tpu.dma_semaphore, #tpu.memory_space<semaphore_mem>> -> memref<1x!tpu.dma_semaphore, #tpu.memory_space<semaphore_mem>>
    %dma_start3A_191 = tpu.memref_squeeze %dma_start3A_190 : memref<1x!tpu.dma_semaphore, #tpu.memory_space<semaphore_mem>> -> memref<!tpu.dma_semaphore, #tpu.memory_space<semaphore_mem>>
    %dma_start3A_192 = arith.constant 0 : i32
    %dma_start3A_193 = arith.constant 0 : i32
    %dma_start3A_194 = tpu.memref_slice %arg4[%add3A_179, %dma_start3A_192, %dma_start3A_193] : memref<4096x4x512xf32, #tpu.memory_space<hbm>> -> memref<8x4x512xf32, #tpu.memory_space<hbm>>
    %dma_start3A_195 = arith.constant 0 : i32
    %dma_start3A_196 = arith.constant 0 : i32
    %dma_start3A_197 = arith.constant 0 : i32
    %dma_start3A_198 = tpu.memref_slice %arg6[%dma_start3A_180, %dma_start3A_195, %dma_start3A_196, %dma_start3A_197] : memref<6x8x4x512xf32, #tpu.memory_space<vmem>> -> memref<1x8x4x512xf32, #tpu.memory_space<vmem>>
    %dma_start3A_199 = tpu.memref_squeeze %dma_start3A_198 : memref<1x8x4x512xf32, #tpu.memory_space<vmem>> -> memref<8x4x512xf32, #tpu.memory_space<vmem>>
    tpu.enqueue_dma source(%dma_start3A_199 : memref<8x4x512xf32, #tpu.memory_space<vmem>>) target(%dma_start3A_194 : memref<8x4x512xf32, #tpu.memory_space<hbm>>) target_semaphore(%dma_start3A_191 : memref<!tpu.dma_semaphore, #tpu.memory_space<semaphore_mem>>)
    %dma_wait3A_200 = arith.constant 1 : i32
    %dma_wait3A_201 = arith.constant 1 : i32
    %dma_wait3A_202 = arith.constant 0 : i32
    %dma_wait3A_203 = arith.constant 0 : i32
    %dma_wait3A_204 = arith.constant 0 : i32
    %dma_wait3A_205 = tpu.memref_slice %arg6[%dma_wait3A_200, %dma_wait3A_202, %dma_wait3A_203, %dma_wait3A_204] : memref<6x8x4x512xf32, #tpu.memory_space<vmem>> -> memref<1x8x4x512xf32, #tpu.memory_space<vmem>>
    %dma_wait3A_206 = tpu.memref_squeeze %dma_wait3A_205 : memref<1x8x4x512xf32, #tpu.memory_space<vmem>> -> memref<8x4x512xf32, #tpu.memory_space<vmem>>
    %dma_wait3A_207 = arith.constant 0 : i32
    %dma_wait3A_208 = arith.constant 0 : i32
    %dma_wait3A_209 = tpu.memref_slice %arg4[%add3A_179, %dma_wait3A_207, %dma_wait3A_208] : memref<4096x4x512xf32, #tpu.memory_space<hbm>> -> memref<8x4x512xf32, #tpu.memory_space<hbm>>
    %dma_wait3A_210 = tpu.memref_slice %arg8[%dma_wait3A_201] : memref<6x!tpu.dma_semaphore, #tpu.memory_space<semaphore_mem>> -> memref<1x!tpu.dma_semaphore, #tpu.memory_space<semaphore_mem>>
    %dma_wait3A_211 = tpu.memref_squeeze %dma_wait3A_210 : memref<1x!tpu.dma_semaphore, #tpu.memory_space<semaphore_mem>> -> memref<!tpu.dma_semaphore, #tpu.memory_space<semaphore_mem>>
    %dma_wait3A_212 = arith.constant 0 : i32
    %dma_wait3A_213 = arith.constant 0 : i32
    %dma_wait3A_214 = tpu.memref_slice %arg4[%add3A_179, %dma_wait3A_212, %dma_wait3A_213] : memref<4096x4x512xf32, #tpu.memory_space<hbm>> -> memref<8x4x512xf32, #tpu.memory_space<hbm>>
    %dma_wait3A_215 = arith.constant 0 : i32
    %dma_wait3A_216 = arith.constant 0 : i32
    %dma_wait3A_217 = arith.constant 0 : i32
    %dma_wait3A_218 = tpu.memref_slice %arg6[%dma_wait3A_200, %dma_wait3A_215, %dma_wait3A_216, %dma_wait3A_217] : memref<6x8x4x512xf32, #tpu.memory_space<vmem>> -> memref<1x8x4x512xf32, #tpu.memory_space<vmem>>
    %dma_wait3A_219 = tpu.memref_squeeze %dma_wait3A_218 : memref<1x8x4x512xf32, #tpu.memory_space<vmem>> -> memref<8x4x512xf32, #tpu.memory_space<vmem>>
    tpu.wait_dma2 semaphore(%dma_wait3A_211 : memref<!tpu.dma_semaphore, #tpu.memory_space<semaphore_mem>>) src(%dma_wait3A_219 : memref<8x4x512xf32, #tpu.memory_space<vmem>>) dst(%dma_wait3A_214 : memref<8x4x512xf32, #tpu.memory_space<hbm>>)
    %dma_start3A_220 = arith.constant 1 : i32
    %dma_start3A_221 = arith.constant 1 : i32
    %dma_start3A_222 = arith.constant 0 : i32
    %dma_start3A_223 = arith.constant 0 : i32
    %dma_start3A_224 = arith.constant 0 : i32
    %dma_start3A_225 = tpu.memref_slice %arg6[%dma_start3A_220, %dma_start3A_222, %dma_start3A_223, %dma_start3A_224] : memref<6x8x4x512xf32, #tpu.memory_space<vmem>> -> memref<1x8x4x512xf32, #tpu.memory_space<vmem>>
    %dma_start3A_226 = tpu.memref_squeeze %dma_start3A_225 : memref<1x8x4x512xf32, #tpu.memory_space<vmem>> -> memref<8x4x512xf32, #tpu.memory_space<vmem>>
    %dma_start3A_227 = arith.constant 56 : i32
    %dma_start3A_228 = tpu.memref_slice %arg5[%dma_start3A_227] : memref<128xi32, #tpu.memory_space<vmem>> -> memref<8xi32, #tpu.memory_space<vmem>>
    %dma_start3A_229 = arith.constant 0 : i32
    %dma_start3A_230 = arith.constant 0 : i32
    %dma_start3A_231 = arith.constant 0 : i32
    %dma_start3A_232 = tpu.memref_slice %arg3[%dma_start3A_229, %dma_start3A_230, %dma_start3A_231] : memref<100000x4x512xf32, #tpu.memory_space<hbm>> -> memref<100000x4x512xf32, #tpu.memory_space<hbm>>
    %dma_start3A_233 = tpu.memref_slice %arg7[%dma_start3A_221] : memref<6x!tpu.dma_semaphore, #tpu.memory_space<semaphore_mem>> -> memref<1x!tpu.dma_semaphore, #tpu.memory_space<semaphore_mem>>
    %dma_start3A_234 = tpu.memref_squeeze %dma_start3A_233 : memref<1x!tpu.dma_semaphore, #tpu.memory_space<semaphore_mem>> -> memref<!tpu.dma_semaphore, #tpu.memory_space<semaphore_mem>>
    tpu.enqueue_indirect_dma source(%dma_start3A_232 : memref<100000x4x512xf32, #tpu.memory_space<hbm>>) target(%dma_start3A_226 : memref<8x4x512xf32, #tpu.memory_space<vmem>>) offsets(%dma_start3A_228 : memref<8xi32, #tpu.memory_space<vmem>>) semaphore(%dma_start3A_234 : memref<!tpu.dma_semaphore, #tpu.memory_space<semaphore_mem>>)
    %dma_wait3A_235 = arith.constant 2 : i32
    %dma_wait3A_236 = arith.constant 2 : i32
    %dma_wait3A_237 = arith.constant 0 : i32
    %dma_wait3A_238 = arith.constant 0 : i32
    %dma_wait3A_239 = arith.constant 0 : i32
    %dma_wait3A_240 = tpu.memref_slice %arg6[%dma_wait3A_235, %dma_wait3A_237, %dma_wait3A_238, %dma_wait3A_239] : memref<6x8x4x512xf32, #tpu.memory_space<vmem>> -> memref<1x8x4x512xf32, #tpu.memory_space<vmem>>
    %dma_wait3A_241 = tpu.memref_squeeze %dma_wait3A_240 : memref<1x8x4x512xf32, #tpu.memory_space<vmem>> -> memref<8x4x512xf32, #tpu.memory_space<vmem>>
    %dma_wait3A_242 = arith.constant 16 : i32
    %dma_wait3A_243 = tpu.memref_slice %arg5[%dma_wait3A_242] : memref<128xi32, #tpu.memory_space<vmem>> -> memref<8xi32, #tpu.memory_space<vmem>>
    %dma_wait3A_244 = arith.constant 0 : i32
    %dma_wait3A_245 = arith.constant 0 : i32
    %dma_wait3A_246 = arith.constant 0 : i32
    %dma_wait3A_247 = tpu.memref_slice %arg3[%dma_wait3A_244, %dma_wait3A_245, %dma_wait3A_246] : memref<100000x4x512xf32, #tpu.memory_space<hbm>> -> memref<100000x4x512xf32, #tpu.memory_space<hbm>>
    %dma_wait3A_248 = tpu.memref_slice %arg7[%dma_wait3A_236] : memref<6x!tpu.dma_semaphore, #tpu.memory_space<semaphore_mem>> -> memref<1x!tpu.dma_semaphore, #tpu.memory_space<semaphore_mem>>
    %dma_wait3A_249 = tpu.memref_squeeze %dma_wait3A_248 : memref<1x!tpu.dma_semaphore, #tpu.memory_space<semaphore_mem>> -> memref<!tpu.dma_semaphore, #tpu.memory_space<semaphore_mem>>
    tpu.wait_indirect_dma semaphore(%dma_wait3A_249 : memref<!tpu.dma_semaphore, #tpu.memory_space<semaphore_mem>>) src(%dma_wait3A_247 : memref<100000x4x512xf32, #tpu.memory_space<hbm>>) dst(%dma_wait3A_241 : memref<8x4x512xf32, #tpu.memory_space<vmem>>)
    %add3A_250 = arith.constant 16 : i32
    %add3A_251 = arith.addi %mul3A_2, %add3A_250 : i32
    %dma_start3A_252 = arith.constant 2 : i32
    %dma_start3A_253 = arith.constant 2 : i32
    %dma_start3A_254 = arith.constant 0 : i32
    %dma_start3A_255 = arith.constant 0 : i32
    %dma_start3A_256 = arith.constant 0 : i32
    %dma_start3A_257 = tpu.memref_slice %arg6[%dma_start3A_252, %dma_start3A_254, %dma_start3A_255, %dma_start3A_256] : memref<6x8x4x512xf32, #tpu.memory_space<vmem>> -> memref<1x8x4x512xf32, #tpu.memory_space<vmem>>
    %dma_start3A_258 = tpu.memref_squeeze %dma_start3A_257 : memref<1x8x4x512xf32, #tpu.memory_space<vmem>> -> memref<8x4x512xf32, #tpu.memory_space<vmem>>
    %dma_start3A_259 = arith.constant 0 : i32
    %dma_start3A_260 = arith.constant 0 : i32
    %dma_start3A_261 = tpu.memref_slice %arg4[%add3A_251, %dma_start3A_259, %dma_start3A_260] : memref<4096x4x512xf32, #tpu.memory_space<hbm>> -> memref<8x4x512xf32, #tpu.memory_space<hbm>>
    %dma_start3A_262 = tpu.memref_slice %arg8[%dma_start3A_253] : memref<6x!tpu.dma_semaphore, #tpu.memory_space<semaphore_mem>> -> memref<1x!tpu.dma_semaphore, #tpu.memory_space<semaphore_mem>>
    %dma_start3A_263 = tpu.memref_squeeze %dma_start3A_262 : memref<1x!tpu.dma_semaphore, #tpu.memory_space<semaphore_mem>> -> memref<!tpu.dma_semaphore, #tpu.memory_space<semaphore_mem>>
    %dma_start3A_264 = arith.constant 0 : i32
    %dma_start3A_265 = arith.constant 0 : i32
    %dma_start3A_266 = tpu.memref_slice %arg4[%add3A_251, %dma_start3A_264, %dma_start3A_265] : memref<4096x4x512xf32, #tpu.memory_space<hbm>> -> memref<8x4x512xf32, #tpu.memory_space<hbm>>
    %dma_start3A_267 = arith.constant 0 : i32
    %dma_start3A_268 = arith.constant 0 : i32
    %dma_start3A_269 = arith.constant 0 : i32
    %dma_start3A_270 = tpu.memref_slice %arg6[%dma_start3A_252, %dma_start3A_267, %dma_start3A_268, %dma_start3A_269] : memref<6x8x4x512xf32, #tpu.memory_space<vmem>> -> memref<1x8x4x512xf32, #tpu.memory_space<vmem>>
    %dma_start3A_271 = tpu.memref_squeeze %dma_start3A_270 : memref<1x8x4x512xf32, #tpu.memory_space<vmem>> -> memref<8x4x512xf32, #tpu.memory_space<vmem>>
    tpu.enqueue_dma source(%dma_start3A_271 : memref<8x4x512xf32, #tpu.memory_space<vmem>>) target(%dma_start3A_266 : memref<8x4x512xf32, #tpu.memory_space<hbm>>) target_semaphore(%dma_start3A_263 : memref<!tpu.dma_semaphore, #tpu.memory_space<semaphore_mem>>)
    %dma_wait3A_272 = arith.constant 2 : i32
    %dma_wait3A_273 = arith.constant 2 : i32
    %dma_wait3A_274 = arith.constant 0 : i32
    %dma_wait3A_275 = arith.constant 0 : i32
    %dma_wait3A_276 = arith.constant 0 : i32
    %dma_wait3A_277 = tpu.memref_slice %arg6[%dma_wait3A_272, %dma_wait3A_274, %dma_wait3A_275, %dma_wait3A_276] : memref<6x8x4x512xf32, #tpu.memory_space<vmem>> -> memref<1x8x4x512xf32, #tpu.memory_space<vmem>>
    %dma_wait3A_278 = tpu.memref_squeeze %dma_wait3A_277 : memref<1x8x4x512xf32, #tpu.memory_space<vmem>> -> memref<8x4x512xf32, #tpu.memory_space<vmem>>
    %dma_wait3A_279 = arith.constant 0 : i32
    %dma_wait3A_280 = arith.constant 0 : i32
    %dma_wait3A_281 = tpu.memref_slice %arg4[%add3A_251, %dma_wait3A_279, %dma_wait3A_280] : memref<4096x4x512xf32, #tpu.memory_space<hbm>> -> memref<8x4x512xf32, #tpu.memory_space<hbm>>
    %dma_wait3A_282 = tpu.memref_slice %arg8[%dma_wait3A_273] : memref<6x!tpu.dma_semaphore, #tpu.memory_space<semaphore_mem>> -> memref<1x!tpu.dma_semaphore, #tpu.memory_space<semaphore_mem>>
    %dma_wait3A_283 = tpu.memref_squeeze %dma_wait3A_282 : memref<1x!tpu.dma_semaphore, #tpu.memory_space<semaphore_mem>> -> memref<!tpu.dma_semaphore, #tpu.memory_space<semaphore_mem>>
    %dma_wait3A_284 = arith.constant 0 : i32
    %dma_wait3A_285 = arith.constant 0 : i32
    %dma_wait3A_286 = tpu.memref_slice %arg4[%add3A_251, %dma_wait3A_284, %dma_wait3A_285] : memref<4096x4x512xf32, #tpu.memory_space<hbm>> -> memref<8x4x512xf32, #tpu.memory_space<hbm>>
    %dma_wait3A_287 = arith.constant 0 : i32
    %dma_wait3A_288 = arith.constant 0 : i32
    %dma_wait3A_289 = arith.constant 0 : i32
    %dma_wait3A_290 = tpu.memref_slice %arg6[%dma_wait3A_272, %dma_wait3A_287, %dma_wait3A_288, %dma_wait3A_289] : memref<6x8x4x512xf32, #tpu.memory_space<vmem>> -> memref<1x8x4x512xf32, #tpu.memory_space<vmem>>
    %dma_wait3A_291 = tpu.memref_squeeze %dma_wait3A_290 : memref<1x8x4x512xf32, #tpu.memory_space<vmem>> -> memref<8x4x512xf32, #tpu.memory_space<vmem>>
    tpu.wait_dma2 semaphore(%dma_wait3A_283 : memref<!tpu.dma_semaphore, #tpu.memory_space<semaphore_mem>>) src(%dma_wait3A_291 : memref<8x4x512xf32, #tpu.memory_space<vmem>>) dst(%dma_wait3A_286 : memref<8x4x512xf32, #tpu.memory_space<hbm>>)
    %dma_start3A_292 = arith.constant 2 : i32
    %dma_start3A_293 = arith.constant 2 : i32
    %dma_start3A_294 = arith.constant 0 : i32
    %dma_start3A_295 = arith.constant 0 : i32
    %dma_start3A_296 = arith.constant 0 : i32
    %dma_start3A_297 = tpu.memref_slice %arg6[%dma_start3A_292, %dma_start3A_294, %dma_start3A_295, %dma_start3A_296] : memref<6x8x4x512xf32, #tpu.memory_space<vmem>> -> memref<1x8x4x512xf32, #tpu.memory_space<vmem>>
    %dma_start3A_298 = tpu.memref_squeeze %dma_start3A_297 : memref<1x8x4x512xf32, #tpu.memory_space<vmem>> -> memref<8x4x512xf32, #tpu.memory_space<vmem>>
    %dma_start3A_299 = arith.constant 64 : i32
    %dma_start3A_300 = tpu.memref_slice %arg5[%dma_start3A_299] : memref<128xi32, #tpu.memory_space<vmem>> -> memref<8xi32, #tpu.memory_space<vmem>>
    %dma_start3A_301 = arith.constant 0 : i32
    %dma_start3A_302 = arith.constant 0 : i32
    %dma_start3A_303 = arith.constant 0 : i32
    %dma_start3A_304 = tpu.memref_slice %arg3[%dma_start3A_301, %dma_start3A_302, %dma_start3A_303] : memref<100000x4x512xf32, #tpu.memory_space<hbm>> -> memref<100000x4x512xf32, #tpu.memory_space<hbm>>
    %dma_start3A_305 = tpu.memref_slice %arg7[%dma_start3A_293] : memref<6x!tpu.dma_semaphore, #tpu.memory_space<semaphore_mem>> -> memref<1x!tpu.dma_semaphore, #tpu.memory_space<semaphore_mem>>
    %dma_start3A_306 = tpu.memref_squeeze %dma_start3A_305 : memref<1x!tpu.dma_semaphore, #tpu.memory_space<semaphore_mem>> -> memref<!tpu.dma_semaphore, #tpu.memory_space<semaphore_mem>>
    tpu.enqueue_indirect_dma source(%dma_start3A_304 : memref<100000x4x512xf32, #tpu.memory_space<hbm>>) target(%dma_start3A_298 : memref<8x4x512xf32, #tpu.memory_space<vmem>>) offsets(%dma_start3A_300 : memref<8xi32, #tpu.memory_space<vmem>>) semaphore(%dma_start3A_306 : memref<!tpu.dma_semaphore, #tpu.memory_space<semaphore_mem>>)
    %dma_wait3A_307 = arith.constant 3 : i32
    %dma_wait3A_308 = arith.constant 3 : i32
    %dma_wait3A_309 = arith.constant 0 : i32
    %dma_wait3A_310 = arith.constant 0 : i32
    %dma_wait3A_311 = arith.constant 0 : i32
    %dma_wait3A_312 = tpu.memref_slice %arg6[%dma_wait3A_307, %dma_wait3A_309, %dma_wait3A_310, %dma_wait3A_311] : memref<6x8x4x512xf32, #tpu.memory_space<vmem>> -> memref<1x8x4x512xf32, #tpu.memory_space<vmem>>
    %dma_wait3A_313 = tpu.memref_squeeze %dma_wait3A_312 : memref<1x8x4x512xf32, #tpu.memory_space<vmem>> -> memref<8x4x512xf32, #tpu.memory_space<vmem>>
    %dma_wait3A_314 = arith.constant 24 : i32
    %dma_wait3A_315 = tpu.memref_slice %arg5[%dma_wait3A_314] : memref<128xi32, #tpu.memory_space<vmem>> -> memref<8xi32, #tpu.memory_space<vmem>>
    %dma_wait3A_316 = arith.constant 0 : i32
    %dma_wait3A_317 = arith.constant 0 : i32
    %dma_wait3A_318 = arith.constant 0 : i32
    %dma_wait3A_319 = tpu.memref_slice %arg3[%dma_wait3A_316, %dma_wait3A_317, %dma_wait3A_318] : memref<100000x4x512xf32, #tpu.memory_space<hbm>> -> memref<100000x4x512xf32, #tpu.memory_space<hbm>>
    %dma_wait3A_320 = tpu.memref_slice %arg7[%dma_wait3A_308] : memref<6x!tpu.dma_semaphore, #tpu.memory_space<semaphore_mem>> -> memref<1x!tpu.dma_semaphore, #tpu.memory_space<semaphore_mem>>
    %dma_wait3A_321 = tpu.memref_squeeze %dma_wait3A_320 : memref<1x!tpu.dma_semaphore, #tpu.memory_space<semaphore_mem>> -> memref<!tpu.dma_semaphore, #tpu.memory_space<semaphore_mem>>
    tpu.wait_indirect_dma semaphore(%dma_wait3A_321 : memref<!tpu.dma_semaphore, #tpu.memory_space<semaphore_mem>>) src(%dma_wait3A_319 : memref<100000x4x512xf32, #tpu.memory_space<hbm>>) dst(%dma_wait3A_313 : memref<8x4x512xf32, #tpu.memory_space<vmem>>)
    %add3A_322 = arith.constant 24 : i32
    %add3A_323 = arith.addi %mul3A_2, %add3A_322 : i32
    %dma_start3A_324 = arith.constant 3 : i32
    %dma_start3A_325 = arith.constant 3 : i32
    %dma_start3A_326 = arith.constant 0 : i32
    %dma_start3A_327 = arith.constant 0 : i32
    %dma_start3A_328 = arith.constant 0 : i32
    %dma_start3A_329 = tpu.memref_slice %arg6[%dma_start3A_324, %dma_start3A_326, %dma_start3A_327, %dma_start3A_328] : memref<6x8x4x512xf32, #tpu.memory_space<vmem>> -> memref<1x8x4x512xf32, #tpu.memory_space<vmem>>
    %dma_start3A_330 = tpu.memref_squeeze %dma_start3A_329 : memref<1x8x4x512xf32, #tpu.memory_space<vmem>> -> memref<8x4x512xf32, #tpu.memory_space<vmem>>
    %dma_start3A_331 = arith.constant 0 : i32
    %dma_start3A_332 = arith.constant 0 : i32
    %dma_start3A_333 = tpu.memref_slice %arg4[%add3A_323, %dma_start3A_331, %dma_start3A_332] : memref<4096x4x512xf32, #tpu.memory_space<hbm>> -> memref<8x4x512xf32, #tpu.memory_space<hbm>>
    %dma_start3A_334 = tpu.memref_slice %arg8[%dma_start3A_325] : memref<6x!tpu.dma_semaphore, #tpu.memory_space<semaphore_mem>> -> memref<1x!tpu.dma_semaphore, #tpu.memory_space<semaphore_mem>>
    %dma_start3A_335 = tpu.memref_squeeze %dma_start3A_334 : memref<1x!tpu.dma_semaphore, #tpu.memory_space<semaphore_mem>> -> memref<!tpu.dma_semaphore, #tpu.memory_space<semaphore_mem>>
    %dma_start3A_336 = arith.constant 0 : i32
    %dma_start3A_337 = arith.constant 0 : i32
    %dma_start3A_338 = tpu.memref_slice %arg4[%add3A_323, %dma_start3A_336, %dma_start3A_337] : memref<4096x4x512xf32, #tpu.memory_space<hbm>> -> memref<8x4x512xf32, #tpu.memory_space<hbm>>
    %dma_start3A_339 = arith.constant 0 : i32
    %dma_start3A_340 = arith.constant 0 : i32
    %dma_start3A_341 = arith.constant 0 : i32
    %dma_start3A_342 = tpu.memref_slice %arg6[%dma_start3A_324, %dma_start3A_339, %dma_start3A_340, %dma_start3A_341] : memref<6x8x4x512xf32, #tpu.memory_space<vmem>> -> memref<1x8x4x512xf32, #tpu.memory_space<vmem>>
    %dma_start3A_343 = tpu.memref_squeeze %dma_start3A_342 : memref<1x8x4x512xf32, #tpu.memory_space<vmem>> -> memref<8x4x512xf32, #tpu.memory_space<vmem>>
    tpu.enqueue_dma source(%dma_start3A_343 : memref<8x4x512xf32, #tpu.memory_space<vmem>>) target(%dma_start3A_338 : memref<8x4x512xf32, #tpu.memory_space<hbm>>) target_semaphore(%dma_start3A_335 : memref<!tpu.dma_semaphore, #tpu.memory_space<semaphore_mem>>)
    %dma_wait3A_344 = arith.constant 3 : i32
    %dma_wait3A_345 = arith.constant 3 : i32
    %dma_wait3A_346 = arith.constant 0 : i32
    %dma_wait3A_347 = arith.constant 0 : i32
    %dma_wait3A_348 = arith.constant 0 : i32
    %dma_wait3A_349 = tpu.memref_slice %arg6[%dma_wait3A_344, %dma_wait3A_346, %dma_wait3A_347, %dma_wait3A_348] : memref<6x8x4x512xf32, #tpu.memory_space<vmem>> -> memref<1x8x4x512xf32, #tpu.memory_space<vmem>>
    %dma_wait3A_350 = tpu.memref_squeeze %dma_wait3A_349 : memref<1x8x4x512xf32, #tpu.memory_space<vmem>> -> memref<8x4x512xf32, #tpu.memory_space<vmem>>
    %dma_wait3A_351 = arith.constant 0 : i32
    %dma_wait3A_352 = arith.constant 0 : i32
    %dma_wait3A_353 = tpu.memref_slice %arg4[%add3A_323, %dma_wait3A_351, %dma_wait3A_352] : memref<4096x4x512xf32, #tpu.memory_space<hbm>> -> memref<8x4x512xf32, #tpu.memory_space<hbm>>
    %dma_wait3A_354 = tpu.memref_slice %arg8[%dma_wait3A_345] : memref<6x!tpu.dma_semaphore, #tpu.memory_space<semaphore_mem>> -> memref<1x!tpu.dma_semaphore, #tpu.memory_space<semaphore_mem>>
    %dma_wait3A_355 = tpu.memref_squeeze %dma_wait3A_354 : memref<1x!tpu.dma_semaphore, #tpu.memory_space<semaphore_mem>> -> memref<!tpu.dma_semaphore, #tpu.memory_space<semaphore_mem>>
    %dma_wait3A_356 = arith.constant 0 : i32
    %dma_wait3A_357 = arith.constant 0 : i32
    %dma_wait3A_358 = tpu.memref_slice %arg4[%add3A_323, %dma_wait3A_356, %dma_wait3A_357] : memref<4096x4x512xf32, #tpu.memory_space<hbm>> -> memref<8x4x512xf32, #tpu.memory_space<hbm>>
    %dma_wait3A_359 = arith.constant 0 : i32
    %dma_wait3A_360 = arith.constant 0 : i32
    %dma_wait3A_361 = arith.constant 0 : i32
    %dma_wait3A_362 = tpu.memref_slice %arg6[%dma_wait3A_344, %dma_wait3A_359, %dma_wait3A_360, %dma_wait3A_361] : memref<6x8x4x512xf32, #tpu.memory_space<vmem>> -> memref<1x8x4x512xf32, #tpu.memory_space<vmem>>
    %dma_wait3A_363 = tpu.memref_squeeze %dma_wait3A_362 : memref<1x8x4x512xf32, #tpu.memory_space<vmem>> -> memref<8x4x512xf32, #tpu.memory_space<vmem>>
    tpu.wait_dma2 semaphore(%dma_wait3A_355 : memref<!tpu.dma_semaphore, #tpu.memory_space<semaphore_mem>>) src(%dma_wait3A_363 : memref<8x4x512xf32, #tpu.memory_space<vmem>>) dst(%dma_wait3A_358 : memref<8x4x512xf32, #tpu.memory_space<hbm>>)
    %dma_start3A_364 = arith.constant 3 : i32
    %dma_start3A_365 = arith.constant 3 : i32
    %dma_start3A_366 = arith.constant 0 : i32
    %dma_start3A_367 = arith.constant 0 : i32
    %dma_start3A_368 = arith.constant 0 : i32
    %dma_start3A_369 = tpu.memref_slice %arg6[%dma_start3A_364, %dma_start3A_366, %dma_start3A_367, %dma_start3A_368] : memref<6x8x4x512xf32, #tpu.memory_space<vmem>> -> memref<1x8x4x512xf32, #tpu.memory_space<vmem>>
    %dma_start3A_370 = tpu.memref_squeeze %dma_start3A_369 : memref<1x8x4x512xf32, #tpu.memory_space<vmem>> -> memref<8x4x512xf32, #tpu.memory_space<vmem>>
    %dma_start3A_371 = arith.constant 72 : i32
    %dma_start3A_372 = tpu.memref_slice %arg5[%dma_start3A_371] : memref<128xi32, #tpu.memory_space<vmem>> -> memref<8xi32, #tpu.memory_space<vmem>>
    %dma_start3A_373 = arith.constant 0 : i32
    %dma_start3A_374 = arith.constant 0 : i32
    %dma_start3A_375 = arith.constant 0 : i32
    %dma_start3A_376 = tpu.memref_slice %arg3[%dma_start3A_373, %dma_start3A_374, %dma_start3A_375] : memref<100000x4x512xf32, #tpu.memory_space<hbm>> -> memref<100000x4x512xf32, #tpu.memory_space<hbm>>
    %dma_start3A_377 = tpu.memref_slice %arg7[%dma_start3A_365] : memref<6x!tpu.dma_semaphore, #tpu.memory_space<semaphore_mem>> -> memref<1x!tpu.dma_semaphore, #tpu.memory_space<semaphore_mem>>
    %dma_start3A_378 = tpu.memref_squeeze %dma_start3A_377 : memref<1x!tpu.dma_semaphore, #tpu.memory_space<semaphore_mem>> -> memref<!tpu.dma_semaphore, #tpu.memory_space<semaphore_mem>>
    tpu.enqueue_indirect_dma source(%dma_start3A_376 : memref<100000x4x512xf32, #tpu.memory_space<hbm>>) target(%dma_start3A_370 : memref<8x4x512xf32, #tpu.memory_space<vmem>>) offsets(%dma_start3A_372 : memref<8xi32, #tpu.memory_space<vmem>>) semaphore(%dma_start3A_378 : memref<!tpu.dma_semaphore, #tpu.memory_space<semaphore_mem>>)
    %dma_wait3A_379 = arith.constant 4 : i32
    %dma_wait3A_380 = arith.constant 4 : i32
    %dma_wait3A_381 = arith.constant 0 : i32
    %dma_wait3A_382 = arith.constant 0 : i32
    %dma_wait3A_383 = arith.constant 0 : i32
    %dma_wait3A_384 = tpu.memref_slice %arg6[%dma_wait3A_379, %dma_wait3A_381, %dma_wait3A_382, %dma_wait3A_383] : memref<6x8x4x512xf32, #tpu.memory_space<vmem>> -> memref<1x8x4x512xf32, #tpu.memory_space<vmem>>
    %dma_wait3A_385 = tpu.memref_squeeze %dma_wait3A_384 : memref<1x8x4x512xf32, #tpu.memory_space<vmem>> -> memref<8x4x512xf32, #tpu.memory_space<vmem>>
    %dma_wait3A_386 = arith.constant 32 : i32
    %dma_wait3A_387 = tpu.memref_slice %arg5[%dma_wait3A_386] : memref<128xi32, #tpu.memory_space<vmem>> -> memref<8xi32, #tpu.memory_space<vmem>>
    %dma_wait3A_388 = arith.constant 0 : i32
    %dma_wait3A_389 = arith.constant 0 : i32
    %dma_wait3A_390 = arith.constant 0 : i32
    %dma_wait3A_391 = tpu.memref_slice %arg3[%dma_wait3A_388, %dma_wait3A_389, %dma_wait3A_390] : memref<100000x4x512xf32, #tpu.memory_space<hbm>> -> memref<100000x4x512xf32, #tpu.memory_space<hbm>>
    %dma_wait3A_392 = tpu.memref_slice %arg7[%dma_wait3A_380] : memref<6x!tpu.dma_semaphore, #tpu.memory_space<semaphore_mem>> -> memref<1x!tpu.dma_semaphore, #tpu.memory_space<semaphore_mem>>
    %dma_wait3A_393 = tpu.memref_squeeze %dma_wait3A_392 : memref<1x!tpu.dma_semaphore, #tpu.memory_space<semaphore_mem>> -> memref<!tpu.dma_semaphore, #tpu.memory_space<semaphore_mem>>
    tpu.wait_indirect_dma semaphore(%dma_wait3A_393 : memref<!tpu.dma_semaphore, #tpu.memory_space<semaphore_mem>>) src(%dma_wait3A_391 : memref<100000x4x512xf32, #tpu.memory_space<hbm>>) dst(%dma_wait3A_385 : memref<8x4x512xf32, #tpu.memory_space<vmem>>)
    %add3A_394 = arith.constant 32 : i32
    %add3A_395 = arith.addi %mul3A_2, %add3A_394 : i32
    %dma_start3A_396 = arith.constant 4 : i32
    %dma_start3A_397 = arith.constant 4 : i32
    %dma_start3A_398 = arith.constant 0 : i32
    %dma_start3A_399 = arith.constant 0 : i32
    %dma_start3A_400 = arith.constant 0 : i32
    %dma_start3A_401 = tpu.memref_slice %arg6[%dma_start3A_396, %dma_start3A_398, %dma_start3A_399, %dma_start3A_400] : memref<6x8x4x512xf32, #tpu.memory_space<vmem>> -> memref<1x8x4x512xf32, #tpu.memory_space<vmem>>
    %dma_start3A_402 = tpu.memref_squeeze %dma_start3A_401 : memref<1x8x4x512xf32, #tpu.memory_space<vmem>> -> memref<8x4x512xf32, #tpu.memory_space<vmem>>
    %dma_start3A_403 = arith.constant 0 : i32
    %dma_start3A_404 = arith.constant 0 : i32
    %dma_start3A_405 = tpu.memref_slice %arg4[%add3A_395, %dma_start3A_403, %dma_start3A_404] : memref<4096x4x512xf32, #tpu.memory_space<hbm>> -> memref<8x4x512xf32, #tpu.memory_space<hbm>>
    %dma_start3A_406 = tpu.memref_slice %arg8[%dma_start3A_397] : memref<6x!tpu.dma_semaphore, #tpu.memory_space<semaphore_mem>> -> memref<1x!tpu.dma_semaphore, #tpu.memory_space<semaphore_mem>>
    %dma_start3A_407 = tpu.memref_squeeze %dma_start3A_406 : memref<1x!tpu.dma_semaphore, #tpu.memory_space<semaphore_mem>> -> memref<!tpu.dma_semaphore, #tpu.memory_space<semaphore_mem>>
    %dma_start3A_408 = arith.constant 0 : i32
    %dma_start3A_409 = arith.constant 0 : i32
    %dma_start3A_410 = tpu.memref_slice %arg4[%add3A_395, %dma_start3A_408, %dma_start3A_409] : memref<4096x4x512xf32, #tpu.memory_space<hbm>> -> memref<8x4x512xf32, #tpu.memory_space<hbm>>
    %dma_start3A_411 = arith.constant 0 : i32
    %dma_start3A_412 = arith.constant 0 : i32
    %dma_start3A_413 = arith.constant 0 : i32
    %dma_start3A_414 = tpu.memref_slice %arg6[%dma_start3A_396, %dma_start3A_411, %dma_start3A_412, %dma_start3A_413] : memref<6x8x4x512xf32, #tpu.memory_space<vmem>> -> memref<1x8x4x512xf32, #tpu.memory_space<vmem>>
    %dma_start3A_415 = tpu.memref_squeeze %dma_start3A_414 : memref<1x8x4x512xf32, #tpu.memory_space<vmem>> -> memref<8x4x512xf32, #tpu.memory_space<vmem>>
    tpu.enqueue_dma source(%dma_start3A_415 : memref<8x4x512xf32, #tpu.memory_space<vmem>>) target(%dma_start3A_410 : memref<8x4x512xf32, #tpu.memory_space<hbm>>) target_semaphore(%dma_start3A_407 : memref<!tpu.dma_semaphore, #tpu.memory_space<semaphore_mem>>)
    %dma_wait3A_416 = arith.constant 4 : i32
    %dma_wait3A_417 = arith.constant 4 : i32
    %dma_wait3A_418 = arith.constant 0 : i32
    %dma_wait3A_419 = arith.constant 0 : i32
    %dma_wait3A_420 = arith.constant 0 : i32
    %dma_wait3A_421 = tpu.memref_slice %arg6[%dma_wait3A_416, %dma_wait3A_418, %dma_wait3A_419, %dma_wait3A_420] : memref<6x8x4x512xf32, #tpu.memory_space<vmem>> -> memref<1x8x4x512xf32, #tpu.memory_space<vmem>>
    %dma_wait3A_422 = tpu.memref_squeeze %dma_wait3A_421 : memref<1x8x4x512xf32, #tpu.memory_space<vmem>> -> memref<8x4x512xf32, #tpu.memory_space<vmem>>
    %dma_wait3A_423 = arith.constant 0 : i32
    %dma_wait3A_424 = arith.constant 0 : i32
    %dma_wait3A_425 = tpu.memref_slice %arg4[%add3A_395, %dma_wait3A_423, %dma_wait3A_424] : memref<4096x4x512xf32, #tpu.memory_space<hbm>> -> memref<8x4x512xf32, #tpu.memory_space<hbm>>
    %dma_wait3A_426 = tpu.memref_slice %arg8[%dma_wait3A_417] : memref<6x!tpu.dma_semaphore, #tpu.memory_space<semaphore_mem>> -> memref<1x!tpu.dma_semaphore, #tpu.memory_space<semaphore_mem>>
    %dma_wait3A_427 = tpu.memref_squeeze %dma_wait3A_426 : memref<1x!tpu.dma_semaphore, #tpu.memory_space<semaphore_mem>> -> memref<!tpu.dma_semaphore, #tpu.memory_space<semaphore_mem>>
    %dma_wait3A_428 = arith.constant 0 : i32
    %dma_wait3A_429 = arith.constant 0 : i32
    %dma_wait3A_430 = tpu.memref_slice %arg4[%add3A_395, %dma_wait3A_428, %dma_wait3A_429] : memref<4096x4x512xf32, #tpu.memory_space<hbm>> -> memref<8x4x512xf32, #tpu.memory_space<hbm>>
    %dma_wait3A_431 = arith.constant 0 : i32
    %dma_wait3A_432 = arith.constant 0 : i32
    %dma_wait3A_433 = arith.constant 0 : i32
    %dma_wait3A_434 = tpu.memref_slice %arg6[%dma_wait3A_416, %dma_wait3A_431, %dma_wait3A_432, %dma_wait3A_433] : memref<6x8x4x512xf32, #tpu.memory_space<vmem>> -> memref<1x8x4x512xf32, #tpu.memory_space<vmem>>
    %dma_wait3A_435 = tpu.memref_squeeze %dma_wait3A_434 : memref<1x8x4x512xf32, #tpu.memory_space<vmem>> -> memref<8x4x512xf32, #tpu.memory_space<vmem>>
    tpu.wait_dma2 semaphore(%dma_wait3A_427 : memref<!tpu.dma_semaphore, #tpu.memory_space<semaphore_mem>>) src(%dma_wait3A_435 : memref<8x4x512xf32, #tpu.memory_space<vmem>>) dst(%dma_wait3A_430 : memref<8x4x512xf32, #tpu.memory_space<hbm>>)
    %dma_start3A_436 = arith.constant 4 : i32
    %dma_start3A_437 = arith.constant 4 : i32
    %dma_start3A_438 = arith.constant 0 : i32
    %dma_start3A_439 = arith.constant 0 : i32
    %dma_start3A_440 = arith.constant 0 : i32
    %dma_start3A_441 = tpu.memref_slice %arg6[%dma_start3A_436, %dma_start3A_438, %dma_start3A_439, %dma_start3A_440] : memref<6x8x4x512xf32, #tpu.memory_space<vmem>> -> memref<1x8x4x512xf32, #tpu.memory_space<vmem>>
    %dma_start3A_442 = tpu.memref_squeeze %dma_start3A_441 : memref<1x8x4x512xf32, #tpu.memory_space<vmem>> -> memref<8x4x512xf32, #tpu.memory_space<vmem>>
    %dma_start3A_443 = arith.constant 80 : i32
    %dma_start3A_444 = tpu.memref_slice %arg5[%dma_start3A_443] : memref<128xi32, #tpu.memory_space<vmem>> -> memref<8xi32, #tpu.memory_space<vmem>>
    %dma_start3A_445 = arith.constant 0 : i32
    %dma_start3A_446 = arith.constant 0 : i32
    %dma_start3A_447 = arith.constant 0 : i32
    %dma_start3A_448 = tpu.memref_slice %arg3[%dma_start3A_445, %dma_start3A_446, %dma_start3A_447] : memref<100000x4x512xf32, #tpu.memory_space<hbm>> -> memref<100000x4x512xf32, #tpu.memory_space<hbm>>
    %dma_start3A_449 = tpu.memref_slice %arg7[%dma_start3A_437] : memref<6x!tpu.dma_semaphore, #tpu.memory_space<semaphore_mem>> -> memref<1x!tpu.dma_semaphore, #tpu.memory_space<semaphore_mem>>
    %dma_start3A_450 = tpu.memref_squeeze %dma_start3A_449 : memref<1x!tpu.dma_semaphore, #tpu.memory_space<semaphore_mem>> -> memref<!tpu.dma_semaphore, #tpu.memory_space<semaphore_mem>>
    tpu.enqueue_indirect_dma source(%dma_start3A_448 : memref<100000x4x512xf32, #tpu.memory_space<hbm>>) target(%dma_start3A_442 : memref<8x4x512xf32, #tpu.memory_space<vmem>>) offsets(%dma_start3A_444 : memref<8xi32, #tpu.memory_space<vmem>>) semaphore(%dma_start3A_450 : memref<!tpu.dma_semaphore, #tpu.memory_space<semaphore_mem>>)
    %dma_wait3A_451 = arith.constant 5 : i32
    %dma_wait3A_452 = arith.constant 5 : i32
    %dma_wait3A_453 = arith.constant 0 : i32
    %dma_wait3A_454 = arith.constant 0 : i32
    %dma_wait3A_455 = arith.constant 0 : i32
    %dma_wait3A_456 = tpu.memref_slice %arg6[%dma_wait3A_451, %dma_wait3A_453, %dma_wait3A_454, %dma_wait3A_455] : memref<6x8x4x512xf32, #tpu.memory_space<vmem>> -> memref<1x8x4x512xf32, #tpu.memory_space<vmem>>
    %dma_wait3A_457 = tpu.memref_squeeze %dma_wait3A_456 : memref<1x8x4x512xf32, #tpu.memory_space<vmem>> -> memref<8x4x512xf32, #tpu.memory_space<vmem>>
    %dma_wait3A_458 = arith.constant 40 : i32
    %dma_wait3A_459 = tpu.memref_slice %arg5[%dma_wait3A_458] : memref<128xi32, #tpu.memory_space<vmem>> -> memref<8xi32, #tpu.memory_space<vmem>>
    %dma_wait3A_460 = arith.constant 0 : i32
    %dma_wait3A_461 = arith.constant 0 : i32
    %dma_wait3A_462 = arith.constant 0 : i32
    %dma_wait3A_463 = tpu.memref_slice %arg3[%dma_wait3A_460, %dma_wait3A_461, %dma_wait3A_462] : memref<100000x4x512xf32, #tpu.memory_space<hbm>> -> memref<100000x4x512xf32, #tpu.memory_space<hbm>>
    %dma_wait3A_464 = tpu.memref_slice %arg7[%dma_wait3A_452] : memref<6x!tpu.dma_semaphore, #tpu.memory_space<semaphore_mem>> -> memref<1x!tpu.dma_semaphore, #tpu.memory_space<semaphore_mem>>
    %dma_wait3A_465 = tpu.memref_squeeze %dma_wait3A_464 : memref<1x!tpu.dma_semaphore, #tpu.memory_space<semaphore_mem>> -> memref<!tpu.dma_semaphore, #tpu.memory_space<semaphore_mem>>
    tpu.wait_indirect_dma semaphore(%dma_wait3A_465 : memref<!tpu.dma_semaphore, #tpu.memory_space<semaphore_mem>>) src(%dma_wait3A_463 : memref<100000x4x512xf32, #tpu.memory_space<hbm>>) dst(%dma_wait3A_457 : memref<8x4x512xf32, #tpu.memory_space<vmem>>)
    %add3A_466 = arith.constant 40 : i32
    %add3A_467 = arith.addi %mul3A_2, %add3A_466 : i32
    %dma_start3A_468 = arith.constant 5 : i32
    %dma_start3A_469 = arith.constant 5 : i32
    %dma_start3A_470 = arith.constant 0 : i32
    %dma_start3A_471 = arith.constant 0 : i32
    %dma_start3A_472 = arith.constant 0 : i32
    %dma_start3A_473 = tpu.memref_slice %arg6[%dma_start3A_468, %dma_start3A_470, %dma_start3A_471, %dma_start3A_472] : memref<6x8x4x512xf32, #tpu.memory_space<vmem>> -> memref<1x8x4x512xf32, #tpu.memory_space<vmem>>
    %dma_start3A_474 = tpu.memref_squeeze %dma_start3A_473 : memref<1x8x4x512xf32, #tpu.memory_space<vmem>> -> memref<8x4x512xf32, #tpu.memory_space<vmem>>
    %dma_start3A_475 = arith.constant 0 : i32
    %dma_start3A_476 = arith.constant 0 : i32
    %dma_start3A_477 = tpu.memref_slice %arg4[%add3A_467, %dma_start3A_475, %dma_start3A_476] : memref<4096x4x512xf32, #tpu.memory_space<hbm>> -> memref<8x4x512xf32, #tpu.memory_space<hbm>>
    %dma_start3A_478 = tpu.memref_slice %arg8[%dma_start3A_469] : memref<6x!tpu.dma_semaphore, #tpu.memory_space<semaphore_mem>> -> memref<1x!tpu.dma_semaphore, #tpu.memory_space<semaphore_mem>>
    %dma_start3A_479 = tpu.memref_squeeze %dma_start3A_478 : memref<1x!tpu.dma_semaphore, #tpu.memory_space<semaphore_mem>> -> memref<!tpu.dma_semaphore, #tpu.memory_space<semaphore_mem>>
    %dma_start3A_480 = arith.constant 0 : i32
    %dma_start3A_481 = arith.constant 0 : i32
    %dma_start3A_482 = tpu.memref_slice %arg4[%add3A_467, %dma_start3A_480, %dma_start3A_481] : memref<4096x4x512xf32, #tpu.memory_space<hbm>> -> memref<8x4x512xf32, #tpu.memory_space<hbm>>
    %dma_start3A_483 = arith.constant 0 : i32
    %dma_start3A_484 = arith.constant 0 : i32
    %dma_start3A_485 = arith.constant 0 : i32
    %dma_start3A_486 = tpu.memref_slice %arg6[%dma_start3A_468, %dma_start3A_483, %dma_start3A_484, %dma_start3A_485] : memref<6x8x4x512xf32, #tpu.memory_space<vmem>> -> memref<1x8x4x512xf32, #tpu.memory_space<vmem>>
    %dma_start3A_487 = tpu.memref_squeeze %dma_start3A_486 : memref<1x8x4x512xf32, #tpu.memory_space<vmem>> -> memref<8x4x512xf32, #tpu.memory_space<vmem>>
    tpu.enqueue_dma source(%dma_start3A_487 : memref<8x4x512xf32, #tpu.memory_space<vmem>>) target(%dma_start3A_482 : memref<8x4x512xf32, #tpu.memory_space<hbm>>) target_semaphore(%dma_start3A_479 : memref<!tpu.dma_semaphore, #tpu.memory_space<semaphore_mem>>)
    %dma_wait3A_488 = arith.constant 5 : i32
    %dma_wait3A_489 = arith.constant 5 : i32
    %dma_wait3A_490 = arith.constant 0 : i32
    %dma_wait3A_491 = arith.constant 0 : i32
    %dma_wait3A_492 = arith.constant 0 : i32
    %dma_wait3A_493 = tpu.memref_slice %arg6[%dma_wait3A_488, %dma_wait3A_490, %dma_wait3A_491, %dma_wait3A_492] : memref<6x8x4x512xf32, #tpu.memory_space<vmem>> -> memref<1x8x4x512xf32, #tpu.memory_space<vmem>>
    %dma_wait3A_494 = tpu.memref_squeeze %dma_wait3A_493 : memref<1x8x4x512xf32, #tpu.memory_space<vmem>> -> memref<8x4x512xf32, #tpu.memory_space<vmem>>
    %dma_wait3A_495 = arith.constant 0 : i32
    %dma_wait3A_496 = arith.constant 0 : i32
    %dma_wait3A_497 = tpu.memref_slice %arg4[%add3A_467, %dma_wait3A_495, %dma_wait3A_496] : memref<4096x4x512xf32, #tpu.memory_space<hbm>> -> memref<8x4x512xf32, #tpu.memory_space<hbm>>
    %dma_wait3A_498 = tpu.memref_slice %arg8[%dma_wait3A_489] : memref<6x!tpu.dma_semaphore, #tpu.memory_space<semaphore_mem>> -> memref<1x!tpu.dma_semaphore, #tpu.memory_space<semaphore_mem>>
    %dma_wait3A_499 = tpu.memref_squeeze %dma_wait3A_498 : memref<1x!tpu.dma_semaphore, #tpu.memory_space<semaphore_mem>> -> memref<!tpu.dma_semaphore, #tpu.memory_space<semaphore_mem>>
    %dma_wait3A_500 = arith.constant 0 : i32
    %dma_wait3A_501 = arith.constant 0 : i32
    %dma_wait3A_502 = tpu.memref_slice %arg4[%add3A_467, %dma_wait3A_500, %dma_wait3A_501] : memref<4096x4x512xf32, #tpu.memory_space<hbm>> -> memref<8x4x512xf32, #tpu.memory_space<hbm>>
    %dma_wait3A_503 = arith.constant 0 : i32
    %dma_wait3A_504 = arith.constant 0 : i32
    %dma_wait3A_505 = arith.constant 0 : i32
    %dma_wait3A_506 = tpu.memref_slice %arg6[%dma_wait3A_488, %dma_wait3A_503, %dma_wait3A_504, %dma_wait3A_505] : memref<6x8x4x512xf32, #tpu.memory_space<vmem>> -> memref<1x8x4x512xf32, #tpu.memory_space<vmem>>
    %dma_wait3A_507 = tpu.memref_squeeze %dma_wait3A_506 : memref<1x8x4x512xf32, #tpu.memory_space<vmem>> -> memref<8x4x512xf32, #tpu.memory_space<vmem>>
    tpu.wait_dma2 semaphore(%dma_wait3A_499 : memref<!tpu.dma_semaphore, #tpu.memory_space<semaphore_mem>>) src(%dma_wait3A_507 : memref<8x4x512xf32, #tpu.memory_space<vmem>>) dst(%dma_wait3A_502 : memref<8x4x512xf32, #tpu.memory_space<hbm>>)
    %dma_start3A_508 = arith.constant 5 : i32
    %dma_start3A_509 = arith.constant 5 : i32
    %dma_start3A_510 = arith.constant 0 : i32
    %dma_start3A_511 = arith.constant 0 : i32
    %dma_start3A_512 = arith.constant 0 : i32
    %dma_start3A_513 = tpu.memref_slice %arg6[%dma_start3A_508, %dma_start3A_510, %dma_start3A_511, %dma_start3A_512] : memref<6x8x4x512xf32, #tpu.memory_space<vmem>> -> memref<1x8x4x512xf32, #tpu.memory_space<vmem>>
    %dma_start3A_514 = tpu.memref_squeeze %dma_start3A_513 : memref<1x8x4x512xf32, #tpu.memory_space<vmem>> -> memref<8x4x512xf32, #tpu.memory_space<vmem>>
    %dma_start3A_515 = arith.constant 88 : i32
    %dma_start3A_516 = tpu.memref_slice %arg5[%dma_start3A_515] : memref<128xi32, #tpu.memory_space<vmem>> -> memref<8xi32, #tpu.memory_space<vmem>>
    %dma_start3A_517 = arith.constant 0 : i32
    %dma_start3A_518 = arith.constant 0 : i32
    %dma_start3A_519 = arith.constant 0 : i32
    %dma_start3A_520 = tpu.memref_slice %arg3[%dma_start3A_517, %dma_start3A_518, %dma_start3A_519] : memref<100000x4x512xf32, #tpu.memory_space<hbm>> -> memref<100000x4x512xf32, #tpu.memory_space<hbm>>
    %dma_start3A_521 = tpu.memref_slice %arg7[%dma_start3A_509] : memref<6x!tpu.dma_semaphore, #tpu.memory_space<semaphore_mem>> -> memref<1x!tpu.dma_semaphore, #tpu.memory_space<semaphore_mem>>
    %dma_start3A_522 = tpu.memref_squeeze %dma_start3A_521 : memref<1x!tpu.dma_semaphore, #tpu.memory_space<semaphore_mem>> -> memref<!tpu.dma_semaphore, #tpu.memory_space<semaphore_mem>>
    tpu.enqueue_indirect_dma source(%dma_start3A_520 : memref<100000x4x512xf32, #tpu.memory_space<hbm>>) target(%dma_start3A_514 : memref<8x4x512xf32, #tpu.memory_space<vmem>>) offsets(%dma_start3A_516 : memref<8xi32, #tpu.memory_space<vmem>>) semaphore(%dma_start3A_522 : memref<!tpu.dma_semaphore, #tpu.memory_space<semaphore_mem>>)
    %dma_wait3A_523 = arith.constant 0 : i32
    %dma_wait3A_524 = arith.constant 0 : i32
    %dma_wait3A_525 = arith.constant 0 : i32
    %dma_wait3A_526 = arith.constant 0 : i32
    %dma_wait3A_527 = arith.constant 0 : i32
    %dma_wait3A_528 = tpu.memref_slice %arg6[%dma_wait3A_523, %dma_wait3A_525, %dma_wait3A_526, %dma_wait3A_527] : memref<6x8x4x512xf32, #tpu.memory_space<vmem>> -> memref<1x8x4x512xf32, #tpu.memory_space<vmem>>
    %dma_wait3A_529 = tpu.memref_squeeze %dma_wait3A_528 : memref<1x8x4x512xf32, #tpu.memory_space<vmem>> -> memref<8x4x512xf32, #tpu.memory_space<vmem>>
    %dma_wait3A_530 = arith.constant 48 : i32
    %dma_wait3A_531 = tpu.memref_slice %arg5[%dma_wait3A_530] : memref<128xi32, #tpu.memory_space<vmem>> -> memref<8xi32, #tpu.memory_space<vmem>>
    %dma_wait3A_532 = arith.constant 0 : i32
    %dma_wait3A_533 = arith.constant 0 : i32
    %dma_wait3A_534 = arith.constant 0 : i32
    %dma_wait3A_535 = tpu.memref_slice %arg3[%dma_wait3A_532, %dma_wait3A_533, %dma_wait3A_534] : memref<100000x4x512xf32, #tpu.memory_space<hbm>> -> memref<100000x4x512xf32, #tpu.memory_space<hbm>>
    %dma_wait3A_536 = tpu.memref_slice %arg7[%dma_wait3A_524] : memref<6x!tpu.dma_semaphore, #tpu.memory_space<semaphore_mem>> -> memref<1x!tpu.dma_semaphore, #tpu.memory_space<semaphore_mem>>
    %dma_wait3A_537 = tpu.memref_squeeze %dma_wait3A_536 : memref<1x!tpu.dma_semaphore, #tpu.memory_space<semaphore_mem>> -> memref<!tpu.dma_semaphore, #tpu.memory_space<semaphore_mem>>
    tpu.wait_indirect_dma semaphore(%dma_wait3A_537 : memref<!tpu.dma_semaphore, #tpu.memory_space<semaphore_mem>>) src(%dma_wait3A_535 : memref<100000x4x512xf32, #tpu.memory_space<hbm>>) dst(%dma_wait3A_529 : memref<8x4x512xf32, #tpu.memory_space<vmem>>)
    %add3A_538 = arith.constant 48 : i32
    %add3A_539 = arith.addi %mul3A_2, %add3A_538 : i32
    %dma_start3A_540 = arith.constant 0 : i32
    %dma_start3A_541 = arith.constant 0 : i32
    %dma_start3A_542 = arith.constant 0 : i32
    %dma_start3A_543 = arith.constant 0 : i32
    %dma_start3A_544 = arith.constant 0 : i32
    %dma_start3A_545 = tpu.memref_slice %arg6[%dma_start3A_540, %dma_start3A_542, %dma_start3A_543, %dma_start3A_544] : memref<6x8x4x512xf32, #tpu.memory_space<vmem>> -> memref<1x8x4x512xf32, #tpu.memory_space<vmem>>
    %dma_start3A_546 = tpu.memref_squeeze %dma_start3A_545 : memref<1x8x4x512xf32, #tpu.memory_space<vmem>> -> memref<8x4x512xf32, #tpu.memory_space<vmem>>
    %dma_start3A_547 = arith.constant 0 : i32
    %dma_start3A_548 = arith.constant 0 : i32
    %dma_start3A_549 = tpu.memref_slice %arg4[%add3A_539, %dma_start3A_547, %dma_start3A_548] : memref<4096x4x512xf32, #tpu.memory_space<hbm>> -> memref<8x4x512xf32, #tpu.memory_space<hbm>>
    %dma_start3A_550 = tpu.memref_slice %arg8[%dma_start3A_541] : memref<6x!tpu.dma_semaphore, #tpu.memory_space<semaphore_mem>> -> memref<1x!tpu.dma_semaphore, #tpu.memory_space<semaphore_mem>>
    %dma_start3A_551 = tpu.memref_squeeze %dma_start3A_550 : memref<1x!tpu.dma_semaphore, #tpu.memory_space<semaphore_mem>> -> memref<!tpu.dma_semaphore, #tpu.memory_space<semaphore_mem>>
    %dma_start3A_552 = arith.constant 0 : i32
    %dma_start3A_553 = arith.constant 0 : i32
    %dma_start3A_554 = tpu.memref_slice %arg4[%add3A_539, %dma_start3A_552, %dma_start3A_553] : memref<4096x4x512xf32, #tpu.memory_space<hbm>> -> memref<8x4x512xf32, #tpu.memory_space<hbm>>
    %dma_start3A_555 = arith.constant 0 : i32
    %dma_start3A_556 = arith.constant 0 : i32
    %dma_start3A_557 = arith.constant 0 : i32
    %dma_start3A_558 = tpu.memref_slice %arg6[%dma_start3A_540, %dma_start3A_555, %dma_start3A_556, %dma_start3A_557] : memref<6x8x4x512xf32, #tpu.memory_space<vmem>> -> memref<1x8x4x512xf32, #tpu.memory_space<vmem>>
    %dma_start3A_559 = tpu.memref_squeeze %dma_start3A_558 : memref<1x8x4x512xf32, #tpu.memory_space<vmem>> -> memref<8x4x512xf32, #tpu.memory_space<vmem>>
    tpu.enqueue_dma source(%dma_start3A_559 : memref<8x4x512xf32, #tpu.memory_space<vmem>>) target(%dma_start3A_554 : memref<8x4x512xf32, #tpu.memory_space<hbm>>) target_semaphore(%dma_start3A_551 : memref<!tpu.dma_semaphore, #tpu.memory_space<semaphore_mem>>)
    %dma_wait3A_560 = arith.constant 0 : i32
    %dma_wait3A_561 = arith.constant 0 : i32
    %dma_wait3A_562 = arith.constant 0 : i32
    %dma_wait3A_563 = arith.constant 0 : i32
    %dma_wait3A_564 = arith.constant 0 : i32
    %dma_wait3A_565 = tpu.memref_slice %arg6[%dma_wait3A_560, %dma_wait3A_562, %dma_wait3A_563, %dma_wait3A_564] : memref<6x8x4x512xf32, #tpu.memory_space<vmem>> -> memref<1x8x4x512xf32, #tpu.memory_space<vmem>>
    %dma_wait3A_566 = tpu.memref_squeeze %dma_wait3A_565 : memref<1x8x4x512xf32, #tpu.memory_space<vmem>> -> memref<8x4x512xf32, #tpu.memory_space<vmem>>
    %dma_wait3A_567 = arith.constant 0 : i32
    %dma_wait3A_568 = arith.constant 0 : i32
    %dma_wait3A_569 = tpu.memref_slice %arg4[%add3A_539, %dma_wait3A_567, %dma_wait3A_568] : memref<4096x4x512xf32, #tpu.memory_space<hbm>> -> memref<8x4x512xf32, #tpu.memory_space<hbm>>
    %dma_wait3A_570 = tpu.memref_slice %arg8[%dma_wait3A_561] : memref<6x!tpu.dma_semaphore, #tpu.memory_space<semaphore_mem>> -> memref<1x!tpu.dma_semaphore, #tpu.memory_space<semaphore_mem>>
    %dma_wait3A_571 = tpu.memref_squeeze %dma_wait3A_570 : memref<1x!tpu.dma_semaphore, #tpu.memory_space<semaphore_mem>> -> memref<!tpu.dma_semaphore, #tpu.memory_space<semaphore_mem>>
    %dma_wait3A_572 = arith.constant 0 : i32
    %dma_wait3A_573 = arith.constant 0 : i32
    %dma_wait3A_574 = tpu.memref_slice %arg4[%add3A_539, %dma_wait3A_572, %dma_wait3A_573] : memref<4096x4x512xf32, #tpu.memory_space<hbm>> -> memref<8x4x512xf32, #tpu.memory_space<hbm>>
    %dma_wait3A_575 = arith.constant 0 : i32
    %dma_wait3A_576 = arith.constant 0 : i32
    %dma_wait3A_577 = arith.constant 0 : i32
    %dma_wait3A_578 = tpu.memref_slice %arg6[%dma_wait3A_560, %dma_wait3A_575, %dma_wait3A_576, %dma_wait3A_577] : memref<6x8x4x512xf32, #tpu.memory_space<vmem>> -> memref<1x8x4x512xf32, #tpu.memory_space<vmem>>
    %dma_wait3A_579 = tpu.memref_squeeze %dma_wait3A_578 : memref<1x8x4x512xf32, #tpu.memory_space<vmem>> -> memref<8x4x512xf32, #tpu.memory_space<vmem>>
    tpu.wait_dma2 semaphore(%dma_wait3A_571 : memref<!tpu.dma_semaphore, #tpu.memory_space<semaphore_mem>>) src(%dma_wait3A_579 : memref<8x4x512xf32, #tpu.memory_space<vmem>>) dst(%dma_wait3A_574 : memref<8x4x512xf32, #tpu.memory_space<hbm>>)
    %dma_start3A_580 = arith.constant 0 : i32
    %dma_start3A_581 = arith.constant 0 : i32
    %dma_start3A_582 = arith.constant 0 : i32
    %dma_start3A_583 = arith.constant 0 : i32
    %dma_start3A_584 = arith.constant 0 : i32
    %dma_start3A_585 = tpu.memref_slice %arg6[%dma_start3A_580, %dma_start3A_582, %dma_start3A_583, %dma_start3A_584] : memref<6x8x4x512xf32, #tpu.memory_space<vmem>> -> memref<1x8x4x512xf32, #tpu.memory_space<vmem>>
    %dma_start3A_586 = tpu.memref_squeeze %dma_start3A_585 : memref<1x8x4x512xf32, #tpu.memory_space<vmem>> -> memref<8x4x512xf32, #tpu.memory_space<vmem>>
    %dma_start3A_587 = arith.constant 96 : i32
    %dma_start3A_588 = tpu.memref_slice %arg5[%dma_start3A_587] : memref<128xi32, #tpu.memory_space<vmem>> -> memref<8xi32, #tpu.memory_space<vmem>>
    %dma_start3A_589 = arith.constant 0 : i32
    %dma_start3A_590 = arith.constant 0 : i32
    %dma_start3A_591 = arith.constant 0 : i32
    %dma_start3A_592 = tpu.memref_slice %arg3[%dma_start3A_589, %dma_start3A_590, %dma_start3A_591] : memref<100000x4x512xf32, #tpu.memory_space<hbm>> -> memref<100000x4x512xf32, #tpu.memory_space<hbm>>
    %dma_start3A_593 = tpu.memref_slice %arg7[%dma_start3A_581] : memref<6x!tpu.dma_semaphore, #tpu.memory_space<semaphore_mem>> -> memref<1x!tpu.dma_semaphore, #tpu.memory_space<semaphore_mem>>
    %dma_start3A_594 = tpu.memref_squeeze %dma_start3A_593 : memref<1x!tpu.dma_semaphore, #tpu.memory_space<semaphore_mem>> -> memref<!tpu.dma_semaphore, #tpu.memory_space<semaphore_mem>>
    tpu.enqueue_indirect_dma source(%dma_start3A_592 : memref<100000x4x512xf32, #tpu.memory_space<hbm>>) target(%dma_start3A_586 : memref<8x4x512xf32, #tpu.memory_space<vmem>>) offsets(%dma_start3A_588 : memref<8xi32, #tpu.memory_space<vmem>>) semaphore(%dma_start3A_594 : memref<!tpu.dma_semaphore, #tpu.memory_space<semaphore_mem>>)
    %dma_wait3A_595 = arith.constant 1 : i32
    %dma_wait3A_596 = arith.constant 1 : i32
    %dma_wait3A_597 = arith.constant 0 : i32
    %dma_wait3A_598 = arith.constant 0 : i32
    %dma_wait3A_599 = arith.constant 0 : i32
    %dma_wait3A_600 = tpu.memref_slice %arg6[%dma_wait3A_595, %dma_wait3A_597, %dma_wait3A_598, %dma_wait3A_599] : memref<6x8x4x512xf32, #tpu.memory_space<vmem>> -> memref<1x8x4x512xf32, #tpu.memory_space<vmem>>
    %dma_wait3A_601 = tpu.memref_squeeze %dma_wait3A_600 : memref<1x8x4x512xf32, #tpu.memory_space<vmem>> -> memref<8x4x512xf32, #tpu.memory_space<vmem>>
    %dma_wait3A_602 = arith.constant 56 : i32
    %dma_wait3A_603 = tpu.memref_slice %arg5[%dma_wait3A_602] : memref<128xi32, #tpu.memory_space<vmem>> -> memref<8xi32, #tpu.memory_space<vmem>>
    %dma_wait3A_604 = arith.constant 0 : i32
    %dma_wait3A_605 = arith.constant 0 : i32
    %dma_wait3A_606 = arith.constant 0 : i32
    %dma_wait3A_607 = tpu.memref_slice %arg3[%dma_wait3A_604, %dma_wait3A_605, %dma_wait3A_606] : memref<100000x4x512xf32, #tpu.memory_space<hbm>> -> memref<100000x4x512xf32, #tpu.memory_space<hbm>>
    %dma_wait3A_608 = tpu.memref_slice %arg7[%dma_wait3A_596] : memref<6x!tpu.dma_semaphore, #tpu.memory_space<semaphore_mem>> -> memref<1x!tpu.dma_semaphore, #tpu.memory_space<semaphore_mem>>
    %dma_wait3A_609 = tpu.memref_squeeze %dma_wait3A_608 : memref<1x!tpu.dma_semaphore, #tpu.memory_space<semaphore_mem>> -> memref<!tpu.dma_semaphore, #tpu.memory_space<semaphore_mem>>
    tpu.wait_indirect_dma semaphore(%dma_wait3A_609 : memref<!tpu.dma_semaphore, #tpu.memory_space<semaphore_mem>>) src(%dma_wait3A_607 : memref<100000x4x512xf32, #tpu.memory_space<hbm>>) dst(%dma_wait3A_601 : memref<8x4x512xf32, #tpu.memory_space<vmem>>)
    %add3A_610 = arith.constant 56 : i32
    %add3A_611 = arith.addi %mul3A_2, %add3A_610 : i32
    %dma_start3A_612 = arith.constant 1 : i32
    %dma_start3A_613 = arith.constant 1 : i32
    %dma_start3A_614 = arith.constant 0 : i32
    %dma_start3A_615 = arith.constant 0 : i32
    %dma_start3A_616 = arith.constant 0 : i32
    %dma_start3A_617 = tpu.memref_slice %arg6[%dma_start3A_612, %dma_start3A_614, %dma_start3A_615, %dma_start3A_616] : memref<6x8x4x512xf32, #tpu.memory_space<vmem>> -> memref<1x8x4x512xf32, #tpu.memory_space<vmem>>
    %dma_start3A_618 = tpu.memref_squeeze %dma_start3A_617 : memref<1x8x4x512xf32, #tpu.memory_space<vmem>> -> memref<8x4x512xf32, #tpu.memory_space<vmem>>
    %dma_start3A_619 = arith.constant 0 : i32
    %dma_start3A_620 = arith.constant 0 : i32
    %dma_start3A_621 = tpu.memref_slice %arg4[%add3A_611, %dma_start3A_619, %dma_start3A_620] : memref<4096x4x512xf32, #tpu.memory_space<hbm>> -> memref<8x4x512xf32, #tpu.memory_space<hbm>>
    %dma_start3A_622 = tpu.memref_slice %arg8[%dma_start3A_613] : memref<6x!tpu.dma_semaphore, #tpu.memory_space<semaphore_mem>> -> memref<1x!tpu.dma_semaphore, #tpu.memory_space<semaphore_mem>>
    %dma_start3A_623 = tpu.memref_squeeze %dma_start3A_622 : memref<1x!tpu.dma_semaphore, #tpu.memory_space<semaphore_mem>> -> memref<!tpu.dma_semaphore, #tpu.memory_space<semaphore_mem>>
    %dma_start3A_624 = arith.constant 0 : i32
    %dma_start3A_625 = arith.constant 0 : i32
    %dma_start3A_626 = tpu.memref_slice %arg4[%add3A_611, %dma_start3A_624, %dma_start3A_625] : memref<4096x4x512xf32, #tpu.memory_space<hbm>> -> memref<8x4x512xf32, #tpu.memory_space<hbm>>
    %dma_start3A_627 = arith.constant 0 : i32
    %dma_start3A_628 = arith.constant 0 : i32
    %dma_start3A_629 = arith.constant 0 : i32
    %dma_start3A_630 = tpu.memref_slice %arg6[%dma_start3A_612, %dma_start3A_627, %dma_start3A_628, %dma_start3A_629] : memref<6x8x4x512xf32, #tpu.memory_space<vmem>> -> memref<1x8x4x512xf32, #tpu.memory_space<vmem>>
    %dma_start3A_631 = tpu.memref_squeeze %dma_start3A_630 : memref<1x8x4x512xf32, #tpu.memory_space<vmem>> -> memref<8x4x512xf32, #tpu.memory_space<vmem>>
    tpu.enqueue_dma source(%dma_start3A_631 : memref<8x4x512xf32, #tpu.memory_space<vmem>>) target(%dma_start3A_626 : memref<8x4x512xf32, #tpu.memory_space<hbm>>) target_semaphore(%dma_start3A_623 : memref<!tpu.dma_semaphore, #tpu.memory_space<semaphore_mem>>)
    %dma_wait3A_632 = arith.constant 1 : i32
    %dma_wait3A_633 = arith.constant 1 : i32
    %dma_wait3A_634 = arith.constant 0 : i32
    %dma_wait3A_635 = arith.constant 0 : i32
    %dma_wait3A_636 = arith.constant 0 : i32
    %dma_wait3A_637 = tpu.memref_slice %arg6[%dma_wait3A_632, %dma_wait3A_634, %dma_wait3A_635, %dma_wait3A_636] : memref<6x8x4x512xf32, #tpu.memory_space<vmem>> -> memref<1x8x4x512xf32, #tpu.memory_space<vmem>>
    %dma_wait3A_638 = tpu.memref_squeeze %dma_wait3A_637 : memref<1x8x4x512xf32, #tpu.memory_space<vmem>> -> memref<8x4x512xf32, #tpu.memory_space<vmem>>
    %dma_wait3A_639 = arith.constant 0 : i32
    %dma_wait3A_640 = arith.constant 0 : i32
    %dma_wait3A_641 = tpu.memref_slice %arg4[%add3A_611, %dma_wait3A_639, %dma_wait3A_640] : memref<4096x4x512xf32, #tpu.memory_space<hbm>> -> memref<8x4x512xf32, #tpu.memory_space<hbm>>
    %dma_wait3A_642 = tpu.memref_slice %arg8[%dma_wait3A_633] : memref<6x!tpu.dma_semaphore, #tpu.memory_space<semaphore_mem>> -> memref<1x!tpu.dma_semaphore, #tpu.memory_space<semaphore_mem>>
    %dma_wait3A_643 = tpu.memref_squeeze %dma_wait3A_642 : memref<1x!tpu.dma_semaphore, #tpu.memory_space<semaphore_mem>> -> memref<!tpu.dma_semaphore, #tpu.memory_space<semaphore_mem>>
    %dma_wait3A_644 = arith.constant 0 : i32
    %dma_wait3A_645 = arith.constant 0 : i32
    %dma_wait3A_646 = tpu.memref_slice %arg4[%add3A_611, %dma_wait3A_644, %dma_wait3A_645] : memref<4096x4x512xf32, #tpu.memory_space<hbm>> -> memref<8x4x512xf32, #tpu.memory_space<hbm>>
    %dma_wait3A_647 = arith.constant 0 : i32
    %dma_wait3A_648 = arith.constant 0 : i32
    %dma_wait3A_649 = arith.constant 0 : i32
    %dma_wait3A_650 = tpu.memref_slice %arg6[%dma_wait3A_632, %dma_wait3A_647, %dma_wait3A_648, %dma_wait3A_649] : memref<6x8x4x512xf32, #tpu.memory_space<vmem>> -> memref<1x8x4x512xf32, #tpu.memory_space<vmem>>
    %dma_wait3A_651 = tpu.memref_squeeze %dma_wait3A_650 : memref<1x8x4x512xf32, #tpu.memory_space<vmem>> -> memref<8x4x512xf32, #tpu.memory_space<vmem>>
    tpu.wait_dma2 semaphore(%dma_wait3A_643 : memref<!tpu.dma_semaphore, #tpu.memory_space<semaphore_mem>>) src(%dma_wait3A_651 : memref<8x4x512xf32, #tpu.memory_space<vmem>>) dst(%dma_wait3A_646 : memref<8x4x512xf32, #tpu.memory_space<hbm>>)
    %dma_start3A_652 = arith.constant 1 : i32
    %dma_start3A_653 = arith.constant 1 : i32
    %dma_start3A_654 = arith.constant 0 : i32
    %dma_start3A_655 = arith.constant 0 : i32
    %dma_start3A_656 = arith.constant 0 : i32
    %dma_start3A_657 = tpu.memref_slice %arg6[%dma_start3A_652, %dma_start3A_654, %dma_start3A_655, %dma_start3A_656] : memref<6x8x4x512xf32, #tpu.memory_space<vmem>> -> memref<1x8x4x512xf32, #tpu.memory_space<vmem>>
    %dma_start3A_658 = tpu.memref_squeeze %dma_start3A_657 : memref<1x8x4x512xf32, #tpu.memory_space<vmem>> -> memref<8x4x512xf32, #tpu.memory_space<vmem>>
    %dma_start3A_659 = arith.constant 104 : i32
    %dma_start3A_660 = tpu.memref_slice %arg5[%dma_start3A_659] : memref<128xi32, #tpu.memory_space<vmem>> -> memref<8xi32, #tpu.memory_space<vmem>>
    %dma_start3A_661 = arith.constant 0 : i32
    %dma_start3A_662 = arith.constant 0 : i32
    %dma_start3A_663 = arith.constant 0 : i32
    %dma_start3A_664 = tpu.memref_slice %arg3[%dma_start3A_661, %dma_start3A_662, %dma_start3A_663] : memref<100000x4x512xf32, #tpu.memory_space<hbm>> -> memref<100000x4x512xf32, #tpu.memory_space<hbm>>
    %dma_start3A_665 = tpu.memref_slice %arg7[%dma_start3A_653] : memref<6x!tpu.dma_semaphore, #tpu.memory_space<semaphore_mem>> -> memref<1x!tpu.dma_semaphore, #tpu.memory_space<semaphore_mem>>
    %dma_start3A_666 = tpu.memref_squeeze %dma_start3A_665 : memref<1x!tpu.dma_semaphore, #tpu.memory_space<semaphore_mem>> -> memref<!tpu.dma_semaphore, #tpu.memory_space<semaphore_mem>>
    tpu.enqueue_indirect_dma source(%dma_start3A_664 : memref<100000x4x512xf32, #tpu.memory_space<hbm>>) target(%dma_start3A_658 : memref<8x4x512xf32, #tpu.memory_space<vmem>>) offsets(%dma_start3A_660 : memref<8xi32, #tpu.memory_space<vmem>>) semaphore(%dma_start3A_666 : memref<!tpu.dma_semaphore, #tpu.memory_space<semaphore_mem>>)
    %dma_wait3A_667 = arith.constant 2 : i32
    %dma_wait3A_668 = arith.constant 2 : i32
    %dma_wait3A_669 = arith.constant 0 : i32
    %dma_wait3A_670 = arith.constant 0 : i32
    %dma_wait3A_671 = arith.constant 0 : i32
    %dma_wait3A_672 = tpu.memref_slice %arg6[%dma_wait3A_667, %dma_wait3A_669, %dma_wait3A_670, %dma_wait3A_671] : memref<6x8x4x512xf32, #tpu.memory_space<vmem>> -> memref<1x8x4x512xf32, #tpu.memory_space<vmem>>
    %dma_wait3A_673 = tpu.memref_squeeze %dma_wait3A_672 : memref<1x8x4x512xf32, #tpu.memory_space<vmem>> -> memref<8x4x512xf32, #tpu.memory_space<vmem>>
    %dma_wait3A_674 = arith.constant 64 : i32
    %dma_wait3A_675 = tpu.memref_slice %arg5[%dma_wait3A_674] : memref<128xi32, #tpu.memory_space<vmem>> -> memref<8xi32, #tpu.memory_space<vmem>>
    %dma_wait3A_676 = arith.constant 0 : i32
    %dma_wait3A_677 = arith.constant 0 : i32
    %dma_wait3A_678 = arith.constant 0 : i32
    %dma_wait3A_679 = tpu.memref_slice %arg3[%dma_wait3A_676, %dma_wait3A_677, %dma_wait3A_678] : memref<100000x4x512xf32, #tpu.memory_space<hbm>> -> memref<100000x4x512xf32, #tpu.memory_space<hbm>>
    %dma_wait3A_680 = tpu.memref_slice %arg7[%dma_wait3A_668] : memref<6x!tpu.dma_semaphore, #tpu.memory_space<semaphore_mem>> -> memref<1x!tpu.dma_semaphore, #tpu.memory_space<semaphore_mem>>
    %dma_wait3A_681 = tpu.memref_squeeze %dma_wait3A_680 : memref<1x!tpu.dma_semaphore, #tpu.memory_space<semaphore_mem>> -> memref<!tpu.dma_semaphore, #tpu.memory_space<semaphore_mem>>
    tpu.wait_indirect_dma semaphore(%dma_wait3A_681 : memref<!tpu.dma_semaphore, #tpu.memory_space<semaphore_mem>>) src(%dma_wait3A_679 : memref<100000x4x512xf32, #tpu.memory_space<hbm>>) dst(%dma_wait3A_673 : memref<8x4x512xf32, #tpu.memory_space<vmem>>)
    %add3A_682 = arith.constant 64 : i32
    %add3A_683 = arith.addi %mul3A_2, %add3A_682 : i32
    %dma_start3A_684 = arith.constant 2 : i32
    %dma_start3A_685 = arith.constant 2 : i32
    %dma_start3A_686 = arith.constant 0 : i32
    %dma_start3A_687 = arith.constant 0 : i32
    %dma_start3A_688 = arith.constant 0 : i32
    %dma_start3A_689 = tpu.memref_slice %arg6[%dma_start3A_684, %dma_start3A_686, %dma_start3A_687, %dma_start3A_688] : memref<6x8x4x512xf32, #tpu.memory_space<vmem>> -> memref<1x8x4x512xf32, #tpu.memory_space<vmem>>
    %dma_start3A_690 = tpu.memref_squeeze %dma_start3A_689 : memref<1x8x4x512xf32, #tpu.memory_space<vmem>> -> memref<8x4x512xf32, #tpu.memory_space<vmem>>
    %dma_start3A_691 = arith.constant 0 : i32
    %dma_start3A_692 = arith.constant 0 : i32
    %dma_start3A_693 = tpu.memref_slice %arg4[%add3A_683, %dma_start3A_691, %dma_start3A_692] : memref<4096x4x512xf32, #tpu.memory_space<hbm>> -> memref<8x4x512xf32, #tpu.memory_space<hbm>>
    %dma_start3A_694 = tpu.memref_slice %arg8[%dma_start3A_685] : memref<6x!tpu.dma_semaphore, #tpu.memory_space<semaphore_mem>> -> memref<1x!tpu.dma_semaphore, #tpu.memory_space<semaphore_mem>>
    %dma_start3A_695 = tpu.memref_squeeze %dma_start3A_694 : memref<1x!tpu.dma_semaphore, #tpu.memory_space<semaphore_mem>> -> memref<!tpu.dma_semaphore, #tpu.memory_space<semaphore_mem>>
    %dma_start3A_696 = arith.constant 0 : i32
    %dma_start3A_697 = arith.constant 0 : i32
    %dma_start3A_698 = tpu.memref_slice %arg4[%add3A_683, %dma_start3A_696, %dma_start3A_697] : memref<4096x4x512xf32, #tpu.memory_space<hbm>> -> memref<8x4x512xf32, #tpu.memory_space<hbm>>
    %dma_start3A_699 = arith.constant 0 : i32
    %dma_start3A_700 = arith.constant 0 : i32
    %dma_start3A_701 = arith.constant 0 : i32
    %dma_start3A_702 = tpu.memref_slice %arg6[%dma_start3A_684, %dma_start3A_699, %dma_start3A_700, %dma_start3A_701] : memref<6x8x4x512xf32, #tpu.memory_space<vmem>> -> memref<1x8x4x512xf32, #tpu.memory_space<vmem>>
    %dma_start3A_703 = tpu.memref_squeeze %dma_start3A_702 : memref<1x8x4x512xf32, #tpu.memory_space<vmem>> -> memref<8x4x512xf32, #tpu.memory_space<vmem>>
    tpu.enqueue_dma source(%dma_start3A_703 : memref<8x4x512xf32, #tpu.memory_space<vmem>>) target(%dma_start3A_698 : memref<8x4x512xf32, #tpu.memory_space<hbm>>) target_semaphore(%dma_start3A_695 : memref<!tpu.dma_semaphore, #tpu.memory_space<semaphore_mem>>)
    %dma_wait3A_704 = arith.constant 2 : i32
    %dma_wait3A_705 = arith.constant 2 : i32
    %dma_wait3A_706 = arith.constant 0 : i32
    %dma_wait3A_707 = arith.constant 0 : i32
    %dma_wait3A_708 = arith.constant 0 : i32
    %dma_wait3A_709 = tpu.memref_slice %arg6[%dma_wait3A_704, %dma_wait3A_706, %dma_wait3A_707, %dma_wait3A_708] : memref<6x8x4x512xf32, #tpu.memory_space<vmem>> -> memref<1x8x4x512xf32, #tpu.memory_space<vmem>>
    %dma_wait3A_710 = tpu.memref_squeeze %dma_wait3A_709 : memref<1x8x4x512xf32, #tpu.memory_space<vmem>> -> memref<8x4x512xf32, #tpu.memory_space<vmem>>
    %dma_wait3A_711 = arith.constant 0 : i32
    %dma_wait3A_712 = arith.constant 0 : i32
    %dma_wait3A_713 = tpu.memref_slice %arg4[%add3A_683, %dma_wait3A_711, %dma_wait3A_712] : memref<4096x4x512xf32, #tpu.memory_space<hbm>> -> memref<8x4x512xf32, #tpu.memory_space<hbm>>
    %dma_wait3A_714 = tpu.memref_slice %arg8[%dma_wait3A_705] : memref<6x!tpu.dma_semaphore, #tpu.memory_space<semaphore_mem>> -> memref<1x!tpu.dma_semaphore, #tpu.memory_space<semaphore_mem>>
    %dma_wait3A_715 = tpu.memref_squeeze %dma_wait3A_714 : memref<1x!tpu.dma_semaphore, #tpu.memory_space<semaphore_mem>> -> memref<!tpu.dma_semaphore, #tpu.memory_space<semaphore_mem>>
    %dma_wait3A_716 = arith.constant 0 : i32
    %dma_wait3A_717 = arith.constant 0 : i32
    %dma_wait3A_718 = tpu.memref_slice %arg4[%add3A_683, %dma_wait3A_716, %dma_wait3A_717] : memref<4096x4x512xf32, #tpu.memory_space<hbm>> -> memref<8x4x512xf32, #tpu.memory_space<hbm>>
    %dma_wait3A_719 = arith.constant 0 : i32
    %dma_wait3A_720 = arith.constant 0 : i32
    %dma_wait3A_721 = arith.constant 0 : i32
    %dma_wait3A_722 = tpu.memref_slice %arg6[%dma_wait3A_704, %dma_wait3A_719, %dma_wait3A_720, %dma_wait3A_721] : memref<6x8x4x512xf32, #tpu.memory_space<vmem>> -> memref<1x8x4x512xf32, #tpu.memory_space<vmem>>
    %dma_wait3A_723 = tpu.memref_squeeze %dma_wait3A_722 : memref<1x8x4x512xf32, #tpu.memory_space<vmem>> -> memref<8x4x512xf32, #tpu.memory_space<vmem>>
    tpu.wait_dma2 semaphore(%dma_wait3A_715 : memref<!tpu.dma_semaphore, #tpu.memory_space<semaphore_mem>>) src(%dma_wait3A_723 : memref<8x4x512xf32, #tpu.memory_space<vmem>>) dst(%dma_wait3A_718 : memref<8x4x512xf32, #tpu.memory_space<hbm>>)
    %dma_start3A_724 = arith.constant 2 : i32
    %dma_start3A_725 = arith.constant 2 : i32
    %dma_start3A_726 = arith.constant 0 : i32
    %dma_start3A_727 = arith.constant 0 : i32
    %dma_start3A_728 = arith.constant 0 : i32
    %dma_start3A_729 = tpu.memref_slice %arg6[%dma_start3A_724, %dma_start3A_726, %dma_start3A_727, %dma_start3A_728] : memref<6x8x4x512xf32, #tpu.memory_space<vmem>> -> memref<1x8x4x512xf32, #tpu.memory_space<vmem>>
    %dma_start3A_730 = tpu.memref_squeeze %dma_start3A_729 : memref<1x8x4x512xf32, #tpu.memory_space<vmem>> -> memref<8x4x512xf32, #tpu.memory_space<vmem>>
    %dma_start3A_731 = arith.constant 112 : i32
    %dma_start3A_732 = tpu.memref_slice %arg5[%dma_start3A_731] : memref<128xi32, #tpu.memory_space<vmem>> -> memref<8xi32, #tpu.memory_space<vmem>>
    %dma_start3A_733 = arith.constant 0 : i32
    %dma_start3A_734 = arith.constant 0 : i32
    %dma_start3A_735 = arith.constant 0 : i32
    %dma_start3A_736 = tpu.memref_slice %arg3[%dma_start3A_733, %dma_start3A_734, %dma_start3A_735] : memref<100000x4x512xf32, #tpu.memory_space<hbm>> -> memref<100000x4x512xf32, #tpu.memory_space<hbm>>
    %dma_start3A_737 = tpu.memref_slice %arg7[%dma_start3A_725] : memref<6x!tpu.dma_semaphore, #tpu.memory_space<semaphore_mem>> -> memref<1x!tpu.dma_semaphore, #tpu.memory_space<semaphore_mem>>
    %dma_start3A_738 = tpu.memref_squeeze %dma_start3A_737 : memref<1x!tpu.dma_semaphore, #tpu.memory_space<semaphore_mem>> -> memref<!tpu.dma_semaphore, #tpu.memory_space<semaphore_mem>>
    tpu.enqueue_indirect_dma source(%dma_start3A_736 : memref<100000x4x512xf32, #tpu.memory_space<hbm>>) target(%dma_start3A_730 : memref<8x4x512xf32, #tpu.memory_space<vmem>>) offsets(%dma_start3A_732 : memref<8xi32, #tpu.memory_space<vmem>>) semaphore(%dma_start3A_738 : memref<!tpu.dma_semaphore, #tpu.memory_space<semaphore_mem>>)
    %dma_wait3A_739 = arith.constant 3 : i32
    %dma_wait3A_740 = arith.constant 3 : i32
    %dma_wait3A_741 = arith.constant 0 : i32
    %dma_wait3A_742 = arith.constant 0 : i32
    %dma_wait3A_743 = arith.constant 0 : i32
    %dma_wait3A_744 = tpu.memref_slice %arg6[%dma_wait3A_739, %dma_wait3A_741, %dma_wait3A_742, %dma_wait3A_743] : memref<6x8x4x512xf32, #tpu.memory_space<vmem>> -> memref<1x8x4x512xf32, #tpu.memory_space<vmem>>
    %dma_wait3A_745 = tpu.memref_squeeze %dma_wait3A_744 : memref<1x8x4x512xf32, #tpu.memory_space<vmem>> -> memref<8x4x512xf32, #tpu.memory_space<vmem>>
    %dma_wait3A_746 = arith.constant 72 : i32
    %dma_wait3A_747 = tpu.memref_slice %arg5[%dma_wait3A_746] : memref<128xi32, #tpu.memory_space<vmem>> -> memref<8xi32, #tpu.memory_space<vmem>>
    %dma_wait3A_748 = arith.constant 0 : i32
    %dma_wait3A_749 = arith.constant 0 : i32
    %dma_wait3A_750 = arith.constant 0 : i32
    %dma_wait3A_751 = tpu.memref_slice %arg3[%dma_wait3A_748, %dma_wait3A_749, %dma_wait3A_750] : memref<100000x4x512xf32, #tpu.memory_space<hbm>> -> memref<100000x4x512xf32, #tpu.memory_space<hbm>>
    %dma_wait3A_752 = tpu.memref_slice %arg7[%dma_wait3A_740] : memref<6x!tpu.dma_semaphore, #tpu.memory_space<semaphore_mem>> -> memref<1x!tpu.dma_semaphore, #tpu.memory_space<semaphore_mem>>
    %dma_wait3A_753 = tpu.memref_squeeze %dma_wait3A_752 : memref<1x!tpu.dma_semaphore, #tpu.memory_space<semaphore_mem>> -> memref<!tpu.dma_semaphore, #tpu.memory_space<semaphore_mem>>
    tpu.wait_indirect_dma semaphore(%dma_wait3A_753 : memref<!tpu.dma_semaphore, #tpu.memory_space<semaphore_mem>>) src(%dma_wait3A_751 : memref<100000x4x512xf32, #tpu.memory_space<hbm>>) dst(%dma_wait3A_745 : memref<8x4x512xf32, #tpu.memory_space<vmem>>)
    %add3A_754 = arith.constant 72 : i32
    %add3A_755 = arith.addi %mul3A_2, %add3A_754 : i32
    %dma_start3A_756 = arith.constant 3 : i32
    %dma_start3A_757 = arith.constant 3 : i32
    %dma_start3A_758 = arith.constant 0 : i32
    %dma_start3A_759 = arith.constant 0 : i32
    %dma_start3A_760 = arith.constant 0 : i32
    %dma_start3A_761 = tpu.memref_slice %arg6[%dma_start3A_756, %dma_start3A_758, %dma_start3A_759, %dma_start3A_760] : memref<6x8x4x512xf32, #tpu.memory_space<vmem>> -> memref<1x8x4x512xf32, #tpu.memory_space<vmem>>
    %dma_start3A_762 = tpu.memref_squeeze %dma_start3A_761 : memref<1x8x4x512xf32, #tpu.memory_space<vmem>> -> memref<8x4x512xf32, #tpu.memory_space<vmem>>
    %dma_start3A_763 = arith.constant 0 : i32
    %dma_start3A_764 = arith.constant 0 : i32
    %dma_start3A_765 = tpu.memref_slice %arg4[%add3A_755, %dma_start3A_763, %dma_start3A_764] : memref<4096x4x512xf32, #tpu.memory_space<hbm>> -> memref<8x4x512xf32, #tpu.memory_space<hbm>>
    %dma_start3A_766 = tpu.memref_slice %arg8[%dma_start3A_757] : memref<6x!tpu.dma_semaphore, #tpu.memory_space<semaphore_mem>> -> memref<1x!tpu.dma_semaphore, #tpu.memory_space<semaphore_mem>>
    %dma_start3A_767 = tpu.memref_squeeze %dma_start3A_766 : memref<1x!tpu.dma_semaphore, #tpu.memory_space<semaphore_mem>> -> memref<!tpu.dma_semaphore, #tpu.memory_space<semaphore_mem>>
    %dma_start3A_768 = arith.constant 0 : i32
    %dma_start3A_769 = arith.constant 0 : i32
    %dma_start3A_770 = tpu.memref_slice %arg4[%add3A_755, %dma_start3A_768, %dma_start3A_769] : memref<4096x4x512xf32, #tpu.memory_space<hbm>> -> memref<8x4x512xf32, #tpu.memory_space<hbm>>
    %dma_start3A_771 = arith.constant 0 : i32
    %dma_start3A_772 = arith.constant 0 : i32
    %dma_start3A_773 = arith.constant 0 : i32
    %dma_start3A_774 = tpu.memref_slice %arg6[%dma_start3A_756, %dma_start3A_771, %dma_start3A_772, %dma_start3A_773] : memref<6x8x4x512xf32, #tpu.memory_space<vmem>> -> memref<1x8x4x512xf32, #tpu.memory_space<vmem>>
    %dma_start3A_775 = tpu.memref_squeeze %dma_start3A_774 : memref<1x8x4x512xf32, #tpu.memory_space<vmem>> -> memref<8x4x512xf32, #tpu.memory_space<vmem>>
    tpu.enqueue_dma source(%dma_start3A_775 : memref<8x4x512xf32, #tpu.memory_space<vmem>>) target(%dma_start3A_770 : memref<8x4x512xf32, #tpu.memory_space<hbm>>) target_semaphore(%dma_start3A_767 : memref<!tpu.dma_semaphore, #tpu.memory_space<semaphore_mem>>)
    %dma_wait3A_776 = arith.constant 3 : i32
    %dma_wait3A_777 = arith.constant 3 : i32
    %dma_wait3A_778 = arith.constant 0 : i32
    %dma_wait3A_779 = arith.constant 0 : i32
    %dma_wait3A_780 = arith.constant 0 : i32
    %dma_wait3A_781 = tpu.memref_slice %arg6[%dma_wait3A_776, %dma_wait3A_778, %dma_wait3A_779, %dma_wait3A_780] : memref<6x8x4x512xf32, #tpu.memory_space<vmem>> -> memref<1x8x4x512xf32, #tpu.memory_space<vmem>>
    %dma_wait3A_782 = tpu.memref_squeeze %dma_wait3A_781 : memref<1x8x4x512xf32, #tpu.memory_space<vmem>> -> memref<8x4x512xf32, #tpu.memory_space<vmem>>
    %dma_wait3A_783 = arith.constant 0 : i32
    %dma_wait3A_784 = arith.constant 0 : i32
    %dma_wait3A_785 = tpu.memref_slice %arg4[%add3A_755, %dma_wait3A_783, %dma_wait3A_784] : memref<4096x4x512xf32, #tpu.memory_space<hbm>> -> memref<8x4x512xf32, #tpu.memory_space<hbm>>
    %dma_wait3A_786 = tpu.memref_slice %arg8[%dma_wait3A_777] : memref<6x!tpu.dma_semaphore, #tpu.memory_space<semaphore_mem>> -> memref<1x!tpu.dma_semaphore, #tpu.memory_space<semaphore_mem>>
    %dma_wait3A_787 = tpu.memref_squeeze %dma_wait3A_786 : memref<1x!tpu.dma_semaphore, #tpu.memory_space<semaphore_mem>> -> memref<!tpu.dma_semaphore, #tpu.memory_space<semaphore_mem>>
    %dma_wait3A_788 = arith.constant 0 : i32
    %dma_wait3A_789 = arith.constant 0 : i32
    %dma_wait3A_790 = tpu.memref_slice %arg4[%add3A_755, %dma_wait3A_788, %dma_wait3A_789] : memref<4096x4x512xf32, #tpu.memory_space<hbm>> -> memref<8x4x512xf32, #tpu.memory_space<hbm>>
    %dma_wait3A_791 = arith.constant 0 : i32
    %dma_wait3A_792 = arith.constant 0 : i32
    %dma_wait3A_793 = arith.constant 0 : i32
    %dma_wait3A_794 = tpu.memref_slice %arg6[%dma_wait3A_776, %dma_wait3A_791, %dma_wait3A_792, %dma_wait3A_793] : memref<6x8x4x512xf32, #tpu.memory_space<vmem>> -> memref<1x8x4x512xf32, #tpu.memory_space<vmem>>
    %dma_wait3A_795 = tpu.memref_squeeze %dma_wait3A_794 : memref<1x8x4x512xf32, #tpu.memory_space<vmem>> -> memref<8x4x512xf32, #tpu.memory_space<vmem>>
    tpu.wait_dma2 semaphore(%dma_wait3A_787 : memref<!tpu.dma_semaphore, #tpu.memory_space<semaphore_mem>>) src(%dma_wait3A_795 : memref<8x4x512xf32, #tpu.memory_space<vmem>>) dst(%dma_wait3A_790 : memref<8x4x512xf32, #tpu.memory_space<hbm>>)
    %dma_start3A_796 = arith.constant 3 : i32
    %dma_start3A_797 = arith.constant 3 : i32
    %dma_start3A_798 = arith.constant 0 : i32
    %dma_start3A_799 = arith.constant 0 : i32
    %dma_start3A_800 = arith.constant 0 : i32
    %dma_start3A_801 = tpu.memref_slice %arg6[%dma_start3A_796, %dma_start3A_798, %dma_start3A_799, %dma_start3A_800] : memref<6x8x4x512xf32, #tpu.memory_space<vmem>> -> memref<1x8x4x512xf32, #tpu.memory_space<vmem>>
    %dma_start3A_802 = tpu.memref_squeeze %dma_start3A_801 : memref<1x8x4x512xf32, #tpu.memory_space<vmem>> -> memref<8x4x512xf32, #tpu.memory_space<vmem>>
    %dma_start3A_803 = arith.constant 120 : i32
    %dma_start3A_804 = tpu.memref_slice %arg5[%dma_start3A_803] : memref<128xi32, #tpu.memory_space<vmem>> -> memref<8xi32, #tpu.memory_space<vmem>>
    %dma_start3A_805 = arith.constant 0 : i32
    %dma_start3A_806 = arith.constant 0 : i32
    %dma_start3A_807 = arith.constant 0 : i32
    %dma_start3A_808 = tpu.memref_slice %arg3[%dma_start3A_805, %dma_start3A_806, %dma_start3A_807] : memref<100000x4x512xf32, #tpu.memory_space<hbm>> -> memref<100000x4x512xf32, #tpu.memory_space<hbm>>
    %dma_start3A_809 = tpu.memref_slice %arg7[%dma_start3A_797] : memref<6x!tpu.dma_semaphore, #tpu.memory_space<semaphore_mem>> -> memref<1x!tpu.dma_semaphore, #tpu.memory_space<semaphore_mem>>
    %dma_start3A_810 = tpu.memref_squeeze %dma_start3A_809 : memref<1x!tpu.dma_semaphore, #tpu.memory_space<semaphore_mem>> -> memref<!tpu.dma_semaphore, #tpu.memory_space<semaphore_mem>>
    tpu.enqueue_indirect_dma source(%dma_start3A_808 : memref<100000x4x512xf32, #tpu.memory_space<hbm>>) target(%dma_start3A_802 : memref<8x4x512xf32, #tpu.memory_space<vmem>>) offsets(%dma_start3A_804 : memref<8xi32, #tpu.memory_space<vmem>>) semaphore(%dma_start3A_810 : memref<!tpu.dma_semaphore, #tpu.memory_space<semaphore_mem>>)
    %dma_wait3A_811 = arith.constant 4 : i32
    %dma_wait3A_812 = arith.constant 4 : i32
    %dma_wait3A_813 = arith.constant 0 : i32
    %dma_wait3A_814 = arith.constant 0 : i32
    %dma_wait3A_815 = arith.constant 0 : i32
    %dma_wait3A_816 = tpu.memref_slice %arg6[%dma_wait3A_811, %dma_wait3A_813, %dma_wait3A_814, %dma_wait3A_815] : memref<6x8x4x512xf32, #tpu.memory_space<vmem>> -> memref<1x8x4x512xf32, #tpu.memory_space<vmem>>
    %dma_wait3A_817 = tpu.memref_squeeze %dma_wait3A_816 : memref<1x8x4x512xf32, #tpu.memory_space<vmem>> -> memref<8x4x512xf32, #tpu.memory_space<vmem>>
    %dma_wait3A_818 = arith.constant 80 : i32
    %dma_wait3A_819 = tpu.memref_slice %arg5[%dma_wait3A_818] : memref<128xi32, #tpu.memory_space<vmem>> -> memref<8xi32, #tpu.memory_space<vmem>>
    %dma_wait3A_820 = arith.constant 0 : i32
    %dma_wait3A_821 = arith.constant 0 : i32
    %dma_wait3A_822 = arith.constant 0 : i32
    %dma_wait3A_823 = tpu.memref_slice %arg3[%dma_wait3A_820, %dma_wait3A_821, %dma_wait3A_822] : memref<100000x4x512xf32, #tpu.memory_space<hbm>> -> memref<100000x4x512xf32, #tpu.memory_space<hbm>>
    %dma_wait3A_824 = tpu.memref_slice %arg7[%dma_wait3A_812] : memref<6x!tpu.dma_semaphore, #tpu.memory_space<semaphore_mem>> -> memref<1x!tpu.dma_semaphore, #tpu.memory_space<semaphore_mem>>
    %dma_wait3A_825 = tpu.memref_squeeze %dma_wait3A_824 : memref<1x!tpu.dma_semaphore, #tpu.memory_space<semaphore_mem>> -> memref<!tpu.dma_semaphore, #tpu.memory_space<semaphore_mem>>
    tpu.wait_indirect_dma semaphore(%dma_wait3A_825 : memref<!tpu.dma_semaphore, #tpu.memory_space<semaphore_mem>>) src(%dma_wait3A_823 : memref<100000x4x512xf32, #tpu.memory_space<hbm>>) dst(%dma_wait3A_817 : memref<8x4x512xf32, #tpu.memory_space<vmem>>)
    %add3A_826 = arith.constant 80 : i32
    %add3A_827 = arith.addi %mul3A_2, %add3A_826 : i32
    %dma_start3A_828 = arith.constant 4 : i32
    %dma_start3A_829 = arith.constant 4 : i32
    %dma_start3A_830 = arith.constant 0 : i32
    %dma_start3A_831 = arith.constant 0 : i32
    %dma_start3A_832 = arith.constant 0 : i32
    %dma_start3A_833 = tpu.memref_slice %arg6[%dma_start3A_828, %dma_start3A_830, %dma_start3A_831, %dma_start3A_832] : memref<6x8x4x512xf32, #tpu.memory_space<vmem>> -> memref<1x8x4x512xf32, #tpu.memory_space<vmem>>
    %dma_start3A_834 = tpu.memref_squeeze %dma_start3A_833 : memref<1x8x4x512xf32, #tpu.memory_space<vmem>> -> memref<8x4x512xf32, #tpu.memory_space<vmem>>
    %dma_start3A_835 = arith.constant 0 : i32
    %dma_start3A_836 = arith.constant 0 : i32
    %dma_start3A_837 = tpu.memref_slice %arg4[%add3A_827, %dma_start3A_835, %dma_start3A_836] : memref<4096x4x512xf32, #tpu.memory_space<hbm>> -> memref<8x4x512xf32, #tpu.memory_space<hbm>>
    %dma_start3A_838 = tpu.memref_slice %arg8[%dma_start3A_829] : memref<6x!tpu.dma_semaphore, #tpu.memory_space<semaphore_mem>> -> memref<1x!tpu.dma_semaphore, #tpu.memory_space<semaphore_mem>>
    %dma_start3A_839 = tpu.memref_squeeze %dma_start3A_838 : memref<1x!tpu.dma_semaphore, #tpu.memory_space<semaphore_mem>> -> memref<!tpu.dma_semaphore, #tpu.memory_space<semaphore_mem>>
    %dma_start3A_840 = arith.constant 0 : i32
    %dma_start3A_841 = arith.constant 0 : i32
    %dma_start3A_842 = tpu.memref_slice %arg4[%add3A_827, %dma_start3A_840, %dma_start3A_841] : memref<4096x4x512xf32, #tpu.memory_space<hbm>> -> memref<8x4x512xf32, #tpu.memory_space<hbm>>
    %dma_start3A_843 = arith.constant 0 : i32
    %dma_start3A_844 = arith.constant 0 : i32
    %dma_start3A_845 = arith.constant 0 : i32
    %dma_start3A_846 = tpu.memref_slice %arg6[%dma_start3A_828, %dma_start3A_843, %dma_start3A_844, %dma_start3A_845] : memref<6x8x4x512xf32, #tpu.memory_space<vmem>> -> memref<1x8x4x512xf32, #tpu.memory_space<vmem>>
    %dma_start3A_847 = tpu.memref_squeeze %dma_start3A_846 : memref<1x8x4x512xf32, #tpu.memory_space<vmem>> -> memref<8x4x512xf32, #tpu.memory_space<vmem>>
    tpu.enqueue_dma source(%dma_start3A_847 : memref<8x4x512xf32, #tpu.memory_space<vmem>>) target(%dma_start3A_842 : memref<8x4x512xf32, #tpu.memory_space<hbm>>) target_semaphore(%dma_start3A_839 : memref<!tpu.dma_semaphore, #tpu.memory_space<semaphore_mem>>)
    %dma_wait3A_848 = arith.constant 5 : i32
    %dma_wait3A_849 = arith.constant 5 : i32
    %dma_wait3A_850 = arith.constant 0 : i32
    %dma_wait3A_851 = arith.constant 0 : i32
    %dma_wait3A_852 = arith.constant 0 : i32
    %dma_wait3A_853 = tpu.memref_slice %arg6[%dma_wait3A_848, %dma_wait3A_850, %dma_wait3A_851, %dma_wait3A_852] : memref<6x8x4x512xf32, #tpu.memory_space<vmem>> -> memref<1x8x4x512xf32, #tpu.memory_space<vmem>>
    %dma_wait3A_854 = tpu.memref_squeeze %dma_wait3A_853 : memref<1x8x4x512xf32, #tpu.memory_space<vmem>> -> memref<8x4x512xf32, #tpu.memory_space<vmem>>
    %dma_wait3A_855 = arith.constant 88 : i32
    %dma_wait3A_856 = tpu.memref_slice %arg5[%dma_wait3A_855] : memref<128xi32, #tpu.memory_space<vmem>> -> memref<8xi32, #tpu.memory_space<vmem>>
    %dma_wait3A_857 = arith.constant 0 : i32
    %dma_wait3A_858 = arith.constant 0 : i32
    %dma_wait3A_859 = arith.constant 0 : i32
    %dma_wait3A_860 = tpu.memref_slice %arg3[%dma_wait3A_857, %dma_wait3A_858, %dma_wait3A_859] : memref<100000x4x512xf32, #tpu.memory_space<hbm>> -> memref<100000x4x512xf32, #tpu.memory_space<hbm>>
    %dma_wait3A_861 = tpu.memref_slice %arg7[%dma_wait3A_849] : memref<6x!tpu.dma_semaphore, #tpu.memory_space<semaphore_mem>> -> memref<1x!tpu.dma_semaphore, #tpu.memory_space<semaphore_mem>>
    %dma_wait3A_862 = tpu.memref_squeeze %dma_wait3A_861 : memref<1x!tpu.dma_semaphore, #tpu.memory_space<semaphore_mem>> -> memref<!tpu.dma_semaphore, #tpu.memory_space<semaphore_mem>>
    tpu.wait_indirect_dma semaphore(%dma_wait3A_862 : memref<!tpu.dma_semaphore, #tpu.memory_space<semaphore_mem>>) src(%dma_wait3A_860 : memref<100000x4x512xf32, #tpu.memory_space<hbm>>) dst(%dma_wait3A_854 : memref<8x4x512xf32, #tpu.memory_space<vmem>>)
    %add3A_863 = arith.constant 88 : i32
    %add3A_864 = arith.addi %mul3A_2, %add3A_863 : i32
    %dma_start3A_865 = arith.constant 5 : i32
    %dma_start3A_866 = arith.constant 5 : i32
    %dma_start3A_867 = arith.constant 0 : i32
    %dma_start3A_868 = arith.constant 0 : i32
    %dma_start3A_869 = arith.constant 0 : i32
    %dma_start3A_870 = tpu.memref_slice %arg6[%dma_start3A_865, %dma_start3A_867, %dma_start3A_868, %dma_start3A_869] : memref<6x8x4x512xf32, #tpu.memory_space<vmem>> -> memref<1x8x4x512xf32, #tpu.memory_space<vmem>>
    %dma_start3A_871 = tpu.memref_squeeze %dma_start3A_870 : memref<1x8x4x512xf32, #tpu.memory_space<vmem>> -> memref<8x4x512xf32, #tpu.memory_space<vmem>>
    %dma_start3A_872 = arith.constant 0 : i32
    %dma_start3A_873 = arith.constant 0 : i32
    %dma_start3A_874 = tpu.memref_slice %arg4[%add3A_864, %dma_start3A_872, %dma_start3A_873] : memref<4096x4x512xf32, #tpu.memory_space<hbm>> -> memref<8x4x512xf32, #tpu.memory_space<hbm>>
    %dma_start3A_875 = tpu.memref_slice %arg8[%dma_start3A_866] : memref<6x!tpu.dma_semaphore, #tpu.memory_space<semaphore_mem>> -> memref<1x!tpu.dma_semaphore, #tpu.memory_space<semaphore_mem>>
    %dma_start3A_876 = tpu.memref_squeeze %dma_start3A_875 : memref<1x!tpu.dma_semaphore, #tpu.memory_space<semaphore_mem>> -> memref<!tpu.dma_semaphore, #tpu.memory_space<semaphore_mem>>
    %dma_start3A_877 = arith.constant 0 : i32
    %dma_start3A_878 = arith.constant 0 : i32
    %dma_start3A_879 = tpu.memref_slice %arg4[%add3A_864, %dma_start3A_877, %dma_start3A_878] : memref<4096x4x512xf32, #tpu.memory_space<hbm>> -> memref<8x4x512xf32, #tpu.memory_space<hbm>>
    %dma_start3A_880 = arith.constant 0 : i32
    %dma_start3A_881 = arith.constant 0 : i32
    %dma_start3A_882 = arith.constant 0 : i32
    %dma_start3A_883 = tpu.memref_slice %arg6[%dma_start3A_865, %dma_start3A_880, %dma_start3A_881, %dma_start3A_882] : memref<6x8x4x512xf32, #tpu.memory_space<vmem>> -> memref<1x8x4x512xf32, #tpu.memory_space<vmem>>
    %dma_start3A_884 = tpu.memref_squeeze %dma_start3A_883 : memref<1x8x4x512xf32, #tpu.memory_space<vmem>> -> memref<8x4x512xf32, #tpu.memory_space<vmem>>
    tpu.enqueue_dma source(%dma_start3A_884 : memref<8x4x512xf32, #tpu.memory_space<vmem>>) target(%dma_start3A_879 : memref<8x4x512xf32, #tpu.memory_space<hbm>>) target_semaphore(%dma_start3A_876 : memref<!tpu.dma_semaphore, #tpu.memory_space<semaphore_mem>>)
    %dma_wait3A_885 = arith.constant 0 : i32
    %dma_wait3A_886 = arith.constant 0 : i32
    %dma_wait3A_887 = arith.constant 0 : i32
    %dma_wait3A_888 = arith.constant 0 : i32
    %dma_wait3A_889 = arith.constant 0 : i32
    %dma_wait3A_890 = tpu.memref_slice %arg6[%dma_wait3A_885, %dma_wait3A_887, %dma_wait3A_888, %dma_wait3A_889] : memref<6x8x4x512xf32, #tpu.memory_space<vmem>> -> memref<1x8x4x512xf32, #tpu.memory_space<vmem>>
    %dma_wait3A_891 = tpu.memref_squeeze %dma_wait3A_890 : memref<1x8x4x512xf32, #tpu.memory_space<vmem>> -> memref<8x4x512xf32, #tpu.memory_space<vmem>>
    %dma_wait3A_892 = arith.constant 96 : i32
    %dma_wait3A_893 = tpu.memref_slice %arg5[%dma_wait3A_892] : memref<128xi32, #tpu.memory_space<vmem>> -> memref<8xi32, #tpu.memory_space<vmem>>
    %dma_wait3A_894 = arith.constant 0 : i32
    %dma_wait3A_895 = arith.constant 0 : i32
    %dma_wait3A_896 = arith.constant 0 : i32
    %dma_wait3A_897 = tpu.memref_slice %arg3[%dma_wait3A_894, %dma_wait3A_895, %dma_wait3A_896] : memref<100000x4x512xf32, #tpu.memory_space<hbm>> -> memref<100000x4x512xf32, #tpu.memory_space<hbm>>
    %dma_wait3A_898 = tpu.memref_slice %arg7[%dma_wait3A_886] : memref<6x!tpu.dma_semaphore, #tpu.memory_space<semaphore_mem>> -> memref<1x!tpu.dma_semaphore, #tpu.memory_space<semaphore_mem>>
    %dma_wait3A_899 = tpu.memref_squeeze %dma_wait3A_898 : memref<1x!tpu.dma_semaphore, #tpu.memory_space<semaphore_mem>> -> memref<!tpu.dma_semaphore, #tpu.memory_space<semaphore_mem>>
    tpu.wait_indirect_dma semaphore(%dma_wait3A_899 : memref<!tpu.dma_semaphore, #tpu.memory_space<semaphore_mem>>) src(%dma_wait3A_897 : memref<100000x4x512xf32, #tpu.memory_space<hbm>>) dst(%dma_wait3A_891 : memref<8x4x512xf32, #tpu.memory_space<vmem>>)
    %add3A_900 = arith.constant 96 : i32
    %add3A_901 = arith.addi %mul3A_2, %add3A_900 : i32
    %dma_start3A_902 = arith.constant 0 : i32
    %dma_start3A_903 = arith.constant 0 : i32
    %dma_start3A_904 = arith.constant 0 : i32
    %dma_start3A_905 = arith.constant 0 : i32
    %dma_start3A_906 = arith.constant 0 : i32
    %dma_start3A_907 = tpu.memref_slice %arg6[%dma_start3A_902, %dma_start3A_904, %dma_start3A_905, %dma_start3A_906] : memref<6x8x4x512xf32, #tpu.memory_space<vmem>> -> memref<1x8x4x512xf32, #tpu.memory_space<vmem>>
    %dma_start3A_908 = tpu.memref_squeeze %dma_start3A_907 : memref<1x8x4x512xf32, #tpu.memory_space<vmem>> -> memref<8x4x512xf32, #tpu.memory_space<vmem>>
    %dma_start3A_909 = arith.constant 0 : i32
    %dma_start3A_910 = arith.constant 0 : i32
    %dma_start3A_911 = tpu.memref_slice %arg4[%add3A_901, %dma_start3A_909, %dma_start3A_910] : memref<4096x4x512xf32, #tpu.memory_space<hbm>> -> memref<8x4x512xf32, #tpu.memory_space<hbm>>
    %dma_start3A_912 = tpu.memref_slice %arg8[%dma_start3A_903] : memref<6x!tpu.dma_semaphore, #tpu.memory_space<semaphore_mem>> -> memref<1x!tpu.dma_semaphore, #tpu.memory_space<semaphore_mem>>
    %dma_start3A_913 = tpu.memref_squeeze %dma_start3A_912 : memref<1x!tpu.dma_semaphore, #tpu.memory_space<semaphore_mem>> -> memref<!tpu.dma_semaphore, #tpu.memory_space<semaphore_mem>>
    %dma_start3A_914 = arith.constant 0 : i32
    %dma_start3A_915 = arith.constant 0 : i32
    %dma_start3A_916 = tpu.memref_slice %arg4[%add3A_901, %dma_start3A_914, %dma_start3A_915] : memref<4096x4x512xf32, #tpu.memory_space<hbm>> -> memref<8x4x512xf32, #tpu.memory_space<hbm>>
    %dma_start3A_917 = arith.constant 0 : i32
    %dma_start3A_918 = arith.constant 0 : i32
    %dma_start3A_919 = arith.constant 0 : i32
    %dma_start3A_920 = tpu.memref_slice %arg6[%dma_start3A_902, %dma_start3A_917, %dma_start3A_918, %dma_start3A_919] : memref<6x8x4x512xf32, #tpu.memory_space<vmem>> -> memref<1x8x4x512xf32, #tpu.memory_space<vmem>>
    %dma_start3A_921 = tpu.memref_squeeze %dma_start3A_920 : memref<1x8x4x512xf32, #tpu.memory_space<vmem>> -> memref<8x4x512xf32, #tpu.memory_space<vmem>>
    tpu.enqueue_dma source(%dma_start3A_921 : memref<8x4x512xf32, #tpu.memory_space<vmem>>) target(%dma_start3A_916 : memref<8x4x512xf32, #tpu.memory_space<hbm>>) target_semaphore(%dma_start3A_913 : memref<!tpu.dma_semaphore, #tpu.memory_space<semaphore_mem>>)
    %dma_wait3A_922 = arith.constant 1 : i32
    %dma_wait3A_923 = arith.constant 1 : i32
    %dma_wait3A_924 = arith.constant 0 : i32
    %dma_wait3A_925 = arith.constant 0 : i32
    %dma_wait3A_926 = arith.constant 0 : i32
    %dma_wait3A_927 = tpu.memref_slice %arg6[%dma_wait3A_922, %dma_wait3A_924, %dma_wait3A_925, %dma_wait3A_926] : memref<6x8x4x512xf32, #tpu.memory_space<vmem>> -> memref<1x8x4x512xf32, #tpu.memory_space<vmem>>
    %dma_wait3A_928 = tpu.memref_squeeze %dma_wait3A_927 : memref<1x8x4x512xf32, #tpu.memory_space<vmem>> -> memref<8x4x512xf32, #tpu.memory_space<vmem>>
    %dma_wait3A_929 = arith.constant 104 : i32
    %dma_wait3A_930 = tpu.memref_slice %arg5[%dma_wait3A_929] : memref<128xi32, #tpu.memory_space<vmem>> -> memref<8xi32, #tpu.memory_space<vmem>>
    %dma_wait3A_931 = arith.constant 0 : i32
    %dma_wait3A_932 = arith.constant 0 : i32
    %dma_wait3A_933 = arith.constant 0 : i32
    %dma_wait3A_934 = tpu.memref_slice %arg3[%dma_wait3A_931, %dma_wait3A_932, %dma_wait3A_933] : memref<100000x4x512xf32, #tpu.memory_space<hbm>> -> memref<100000x4x512xf32, #tpu.memory_space<hbm>>
    %dma_wait3A_935 = tpu.memref_slice %arg7[%dma_wait3A_923] : memref<6x!tpu.dma_semaphore, #tpu.memory_space<semaphore_mem>> -> memref<1x!tpu.dma_semaphore, #tpu.memory_space<semaphore_mem>>
    %dma_wait3A_936 = tpu.memref_squeeze %dma_wait3A_935 : memref<1x!tpu.dma_semaphore, #tpu.memory_space<semaphore_mem>> -> memref<!tpu.dma_semaphore, #tpu.memory_space<semaphore_mem>>
    tpu.wait_indirect_dma semaphore(%dma_wait3A_936 : memref<!tpu.dma_semaphore, #tpu.memory_space<semaphore_mem>>) src(%dma_wait3A_934 : memref<100000x4x512xf32, #tpu.memory_space<hbm>>) dst(%dma_wait3A_928 : memref<8x4x512xf32, #tpu.memory_space<vmem>>)
    %add3A_937 = arith.constant 104 : i32
    %add3A_938 = arith.addi %mul3A_2, %add3A_937 : i32
    %dma_start3A_939 = arith.constant 1 : i32
    %dma_start3A_940 = arith.constant 1 : i32
    %dma_start3A_941 = arith.constant 0 : i32
    %dma_start3A_942 = arith.constant 0 : i32
    %dma_start3A_943 = arith.constant 0 : i32
    %dma_start3A_944 = tpu.memref_slice %arg6[%dma_start3A_939, %dma_start3A_941, %dma_start3A_942, %dma_start3A_943] : memref<6x8x4x512xf32, #tpu.memory_space<vmem>> -> memref<1x8x4x512xf32, #tpu.memory_space<vmem>>
    %dma_start3A_945 = tpu.memref_squeeze %dma_start3A_944 : memref<1x8x4x512xf32, #tpu.memory_space<vmem>> -> memref<8x4x512xf32, #tpu.memory_space<vmem>>
    %dma_start3A_946 = arith.constant 0 : i32
    %dma_start3A_947 = arith.constant 0 : i32
    %dma_start3A_948 = tpu.memref_slice %arg4[%add3A_938, %dma_start3A_946, %dma_start3A_947] : memref<4096x4x512xf32, #tpu.memory_space<hbm>> -> memref<8x4x512xf32, #tpu.memory_space<hbm>>
    %dma_start3A_949 = tpu.memref_slice %arg8[%dma_start3A_940] : memref<6x!tpu.dma_semaphore, #tpu.memory_space<semaphore_mem>> -> memref<1x!tpu.dma_semaphore, #tpu.memory_space<semaphore_mem>>
    %dma_start3A_950 = tpu.memref_squeeze %dma_start3A_949 : memref<1x!tpu.dma_semaphore, #tpu.memory_space<semaphore_mem>> -> memref<!tpu.dma_semaphore, #tpu.memory_space<semaphore_mem>>
    %dma_start3A_951 = arith.constant 0 : i32
    %dma_start3A_952 = arith.constant 0 : i32
    %dma_start3A_953 = tpu.memref_slice %arg4[%add3A_938, %dma_start3A_951, %dma_start3A_952] : memref<4096x4x512xf32, #tpu.memory_space<hbm>> -> memref<8x4x512xf32, #tpu.memory_space<hbm>>
    %dma_start3A_954 = arith.constant 0 : i32
    %dma_start3A_955 = arith.constant 0 : i32
    %dma_start3A_956 = arith.constant 0 : i32
    %dma_start3A_957 = tpu.memref_slice %arg6[%dma_start3A_939, %dma_start3A_954, %dma_start3A_955, %dma_start3A_956] : memref<6x8x4x512xf32, #tpu.memory_space<vmem>> -> memref<1x8x4x512xf32, #tpu.memory_space<vmem>>
    %dma_start3A_958 = tpu.memref_squeeze %dma_start3A_957 : memref<1x8x4x512xf32, #tpu.memory_space<vmem>> -> memref<8x4x512xf32, #tpu.memory_space<vmem>>
    tpu.enqueue_dma source(%dma_start3A_958 : memref<8x4x512xf32, #tpu.memory_space<vmem>>) target(%dma_start3A_953 : memref<8x4x512xf32, #tpu.memory_space<hbm>>) target_semaphore(%dma_start3A_950 : memref<!tpu.dma_semaphore, #tpu.memory_space<semaphore_mem>>)
    %dma_wait3A_959 = arith.constant 2 : i32
    %dma_wait3A_960 = arith.constant 2 : i32
    %dma_wait3A_961 = arith.constant 0 : i32
    %dma_wait3A_962 = arith.constant 0 : i32
    %dma_wait3A_963 = arith.constant 0 : i32
    %dma_wait3A_964 = tpu.memref_slice %arg6[%dma_wait3A_959, %dma_wait3A_961, %dma_wait3A_962, %dma_wait3A_963] : memref<6x8x4x512xf32, #tpu.memory_space<vmem>> -> memref<1x8x4x512xf32, #tpu.memory_space<vmem>>
    %dma_wait3A_965 = tpu.memref_squeeze %dma_wait3A_964 : memref<1x8x4x512xf32, #tpu.memory_space<vmem>> -> memref<8x4x512xf32, #tpu.memory_space<vmem>>
    %dma_wait3A_966 = arith.constant 112 : i32
    %dma_wait3A_967 = tpu.memref_slice %arg5[%dma_wait3A_966] : memref<128xi32, #tpu.memory_space<vmem>> -> memref<8xi32, #tpu.memory_space<vmem>>
    %dma_wait3A_968 = arith.constant 0 : i32
    %dma_wait3A_969 = arith.constant 0 : i32
    %dma_wait3A_970 = arith.constant 0 : i32
    %dma_wait3A_971 = tpu.memref_slice %arg3[%dma_wait3A_968, %dma_wait3A_969, %dma_wait3A_970] : memref<100000x4x512xf32, #tpu.memory_space<hbm>> -> memref<100000x4x512xf32, #tpu.memory_space<hbm>>
    %dma_wait3A_972 = tpu.memref_slice %arg7[%dma_wait3A_960] : memref<6x!tpu.dma_semaphore, #tpu.memory_space<semaphore_mem>> -> memref<1x!tpu.dma_semaphore, #tpu.memory_space<semaphore_mem>>
    %dma_wait3A_973 = tpu.memref_squeeze %dma_wait3A_972 : memref<1x!tpu.dma_semaphore, #tpu.memory_space<semaphore_mem>> -> memref<!tpu.dma_semaphore, #tpu.memory_space<semaphore_mem>>
    tpu.wait_indirect_dma semaphore(%dma_wait3A_973 : memref<!tpu.dma_semaphore, #tpu.memory_space<semaphore_mem>>) src(%dma_wait3A_971 : memref<100000x4x512xf32, #tpu.memory_space<hbm>>) dst(%dma_wait3A_965 : memref<8x4x512xf32, #tpu.memory_space<vmem>>)
    %add3A_974 = arith.constant 112 : i32
    %add3A_975 = arith.addi %mul3A_2, %add3A_974 : i32
    %dma_start3A_976 = arith.constant 2 : i32
    %dma_start3A_977 = arith.constant 2 : i32
    %dma_start3A_978 = arith.constant 0 : i32
    %dma_start3A_979 = arith.constant 0 : i32
    %dma_start3A_980 = arith.constant 0 : i32
    %dma_start3A_981 = tpu.memref_slice %arg6[%dma_start3A_976, %dma_start3A_978, %dma_start3A_979, %dma_start3A_980] : memref<6x8x4x512xf32, #tpu.memory_space<vmem>> -> memref<1x8x4x512xf32, #tpu.memory_space<vmem>>
    %dma_start3A_982 = tpu.memref_squeeze %dma_start3A_981 : memref<1x8x4x512xf32, #tpu.memory_space<vmem>> -> memref<8x4x512xf32, #tpu.memory_space<vmem>>
    %dma_start3A_983 = arith.constant 0 : i32
    %dma_start3A_984 = arith.constant 0 : i32
    %dma_start3A_985 = tpu.memref_slice %arg4[%add3A_975, %dma_start3A_983, %dma_start3A_984] : memref<4096x4x512xf32, #tpu.memory_space<hbm>> -> memref<8x4x512xf32, #tpu.memory_space<hbm>>
    %dma_start3A_986 = tpu.memref_slice %arg8[%dma_start3A_977] : memref<6x!tpu.dma_semaphore, #tpu.memory_space<semaphore_mem>> -> memref<1x!tpu.dma_semaphore, #tpu.memory_space<semaphore_mem>>
    %dma_start3A_987 = tpu.memref_squeeze %dma_start3A_986 : memref<1x!tpu.dma_semaphore, #tpu.memory_space<semaphore_mem>> -> memref<!tpu.dma_semaphore, #tpu.memory_space<semaphore_mem>>
    %dma_start3A_988 = arith.constant 0 : i32
    %dma_start3A_989 = arith.constant 0 : i32
    %dma_start3A_990 = tpu.memref_slice %arg4[%add3A_975, %dma_start3A_988, %dma_start3A_989] : memref<4096x4x512xf32, #tpu.memory_space<hbm>> -> memref<8x4x512xf32, #tpu.memory_space<hbm>>
    %dma_start3A_991 = arith.constant 0 : i32
    %dma_start3A_992 = arith.constant 0 : i32
    %dma_start3A_993 = arith.constant 0 : i32
    %dma_start3A_994 = tpu.memref_slice %arg6[%dma_start3A_976, %dma_start3A_991, %dma_start3A_992, %dma_start3A_993] : memref<6x8x4x512xf32, #tpu.memory_space<vmem>> -> memref<1x8x4x512xf32, #tpu.memory_space<vmem>>
    %dma_start3A_995 = tpu.memref_squeeze %dma_start3A_994 : memref<1x8x4x512xf32, #tpu.memory_space<vmem>> -> memref<8x4x512xf32, #tpu.memory_space<vmem>>
    tpu.enqueue_dma source(%dma_start3A_995 : memref<8x4x512xf32, #tpu.memory_space<vmem>>) target(%dma_start3A_990 : memref<8x4x512xf32, #tpu.memory_space<hbm>>) target_semaphore(%dma_start3A_987 : memref<!tpu.dma_semaphore, #tpu.memory_space<semaphore_mem>>)
    %dma_wait3A_996 = arith.constant 3 : i32
    %dma_wait3A_997 = arith.constant 3 : i32
    %dma_wait3A_998 = arith.constant 0 : i32
    %dma_wait3A_999 = arith.constant 0 : i32
    %dma_wait3A_1000 = arith.constant 0 : i32
    %dma_wait3A_1001 = tpu.memref_slice %arg6[%dma_wait3A_996, %dma_wait3A_998, %dma_wait3A_999, %dma_wait3A_1000] : memref<6x8x4x512xf32, #tpu.memory_space<vmem>> -> memref<1x8x4x512xf32, #tpu.memory_space<vmem>>
    %dma_wait3A_1002 = tpu.memref_squeeze %dma_wait3A_1001 : memref<1x8x4x512xf32, #tpu.memory_space<vmem>> -> memref<8x4x512xf32, #tpu.memory_space<vmem>>
    %dma_wait3A_1003 = arith.constant 120 : i32
    %dma_wait3A_1004 = tpu.memref_slice %arg5[%dma_wait3A_1003] : memref<128xi32, #tpu.memory_space<vmem>> -> memref<8xi32, #tpu.memory_space<vmem>>
    %dma_wait3A_1005 = arith.constant 0 : i32
    %dma_wait3A_1006 = arith.constant 0 : i32
    %dma_wait3A_1007 = arith.constant 0 : i32
    %dma_wait3A_1008 = tpu.memref_slice %arg3[%dma_wait3A_1005, %dma_wait3A_1006, %dma_wait3A_1007] : memref<100000x4x512xf32, #tpu.memory_space<hbm>> -> memref<100000x4x512xf32, #tpu.memory_space<hbm>>
    %dma_wait3A_1009 = tpu.memref_slice %arg7[%dma_wait3A_997] : memref<6x!tpu.dma_semaphore, #tpu.memory_space<semaphore_mem>> -> memref<1x!tpu.dma_semaphore, #tpu.memory_space<semaphore_mem>>
    %dma_wait3A_1010 = tpu.memref_squeeze %dma_wait3A_1009 : memref<1x!tpu.dma_semaphore, #tpu.memory_space<semaphore_mem>> -> memref<!tpu.dma_semaphore, #tpu.memory_space<semaphore_mem>>
    tpu.wait_indirect_dma semaphore(%dma_wait3A_1010 : memref<!tpu.dma_semaphore, #tpu.memory_space<semaphore_mem>>) src(%dma_wait3A_1008 : memref<100000x4x512xf32, #tpu.memory_space<hbm>>) dst(%dma_wait3A_1002 : memref<8x4x512xf32, #tpu.memory_space<vmem>>)
    %add3A_1011 = arith.constant 120 : i32
    %add3A_1012 = arith.addi %mul3A_2, %add3A_1011 : i32
    %dma_start3A_1013 = arith.constant 3 : i32
    %dma_start3A_1014 = arith.constant 3 : i32
    %dma_start3A_1015 = arith.constant 0 : i32
    %dma_start3A_1016 = arith.constant 0 : i32
    %dma_start3A_1017 = arith.constant 0 : i32
    %dma_start3A_1018 = tpu.memref_slice %arg6[%dma_start3A_1013, %dma_start3A_1015, %dma_start3A_1016, %dma_start3A_1017] : memref<6x8x4x512xf32, #tpu.memory_space<vmem>> -> memref<1x8x4x512xf32, #tpu.memory_space<vmem>>
    %dma_start3A_1019 = tpu.memref_squeeze %dma_start3A_1018 : memref<1x8x4x512xf32, #tpu.memory_space<vmem>> -> memref<8x4x512xf32, #tpu.memory_space<vmem>>
    %dma_start3A_1020 = arith.constant 0 : i32
    %dma_start3A_1021 = arith.constant 0 : i32
    %dma_start3A_1022 = tpu.memref_slice %arg4[%add3A_1012, %dma_start3A_1020, %dma_start3A_1021] : memref<4096x4x512xf32, #tpu.memory_space<hbm>> -> memref<8x4x512xf32, #tpu.memory_space<hbm>>
    %dma_start3A_1023 = tpu.memref_slice %arg8[%dma_start3A_1014] : memref<6x!tpu.dma_semaphore, #tpu.memory_space<semaphore_mem>> -> memref<1x!tpu.dma_semaphore, #tpu.memory_space<semaphore_mem>>
    %dma_start3A_1024 = tpu.memref_squeeze %dma_start3A_1023 : memref<1x!tpu.dma_semaphore, #tpu.memory_space<semaphore_mem>> -> memref<!tpu.dma_semaphore, #tpu.memory_space<semaphore_mem>>
    %dma_start3A_1025 = arith.constant 0 : i32
    %dma_start3A_1026 = arith.constant 0 : i32
    %dma_start3A_1027 = tpu.memref_slice %arg4[%add3A_1012, %dma_start3A_1025, %dma_start3A_1026] : memref<4096x4x512xf32, #tpu.memory_space<hbm>> -> memref<8x4x512xf32, #tpu.memory_space<hbm>>
    %dma_start3A_1028 = arith.constant 0 : i32
    %dma_start3A_1029 = arith.constant 0 : i32
    %dma_start3A_1030 = arith.constant 0 : i32
    %dma_start3A_1031 = tpu.memref_slice %arg6[%dma_start3A_1013, %dma_start3A_1028, %dma_start3A_1029, %dma_start3A_1030] : memref<6x8x4x512xf32, #tpu.memory_space<vmem>> -> memref<1x8x4x512xf32, #tpu.memory_space<vmem>>
    %dma_start3A_1032 = tpu.memref_squeeze %dma_start3A_1031 : memref<1x8x4x512xf32, #tpu.memory_space<vmem>> -> memref<8x4x512xf32, #tpu.memory_space<vmem>>
    tpu.enqueue_dma source(%dma_start3A_1032 : memref<8x4x512xf32, #tpu.memory_space<vmem>>) target(%dma_start3A_1027 : memref<8x4x512xf32, #tpu.memory_space<hbm>>) target_semaphore(%dma_start3A_1024 : memref<!tpu.dma_semaphore, #tpu.memory_space<semaphore_mem>>)
    %dma_wait3A_1033 = arith.constant 5 : i32
    %dma_wait3A_1034 = arith.constant 5 : i32
    %dma_wait3A_1035 = arith.constant 0 : i32
    %dma_wait3A_1036 = arith.constant 0 : i32
    %dma_wait3A_1037 = arith.constant 0 : i32
    %dma_wait3A_1038 = tpu.memref_slice %arg6[%dma_wait3A_1033, %dma_wait3A_1035, %dma_wait3A_1036, %dma_wait3A_1037] : memref<6x8x4x512xf32, #tpu.memory_space<vmem>> -> memref<1x8x4x512xf32, #tpu.memory_space<vmem>>
    %dma_wait3A_1039 = tpu.memref_squeeze %dma_wait3A_1038 : memref<1x8x4x512xf32, #tpu.memory_space<vmem>> -> memref<8x4x512xf32, #tpu.memory_space<vmem>>
    %dma_wait3A_1040 = arith.constant 0 : i32
    %dma_wait3A_1041 = arith.constant 0 : i32
    %dma_wait3A_1042 = tpu.memref_slice %arg4[%add3A_864, %dma_wait3A_1040, %dma_wait3A_1041] : memref<4096x4x512xf32, #tpu.memory_space<hbm>> -> memref<8x4x512xf32, #tpu.memory_space<hbm>>
    %dma_wait3A_1043 = tpu.memref_slice %arg8[%dma_wait3A_1034] : memref<6x!tpu.dma_semaphore, #tpu.memory_space<semaphore_mem>> -> memref<1x!tpu.dma_semaphore, #tpu.memory_space<semaphore_mem>>
    %dma_wait3A_1044 = tpu.memref_squeeze %dma_wait3A_1043 : memref<1x!tpu.dma_semaphore, #tpu.memory_space<semaphore_mem>> -> memref<!tpu.dma_semaphore, #tpu.memory_space<semaphore_mem>>
    %dma_wait3A_1045 = arith.constant 0 : i32
    %dma_wait3A_1046 = arith.constant 0 : i32
    %dma_wait3A_1047 = tpu.memref_slice %arg4[%add3A_864, %dma_wait3A_1045, %dma_wait3A_1046] : memref<4096x4x512xf32, #tpu.memory_space<hbm>> -> memref<8x4x512xf32, #tpu.memory_space<hbm>>
    %dma_wait3A_1048 = arith.constant 0 : i32
    %dma_wait3A_1049 = arith.constant 0 : i32
    %dma_wait3A_1050 = arith.constant 0 : i32
    %dma_wait3A_1051 = tpu.memref_slice %arg6[%dma_wait3A_1033, %dma_wait3A_1048, %dma_wait3A_1049, %dma_wait3A_1050] : memref<6x8x4x512xf32, #tpu.memory_space<vmem>> -> memref<1x8x4x512xf32, #tpu.memory_space<vmem>>
    %dma_wait3A_1052 = tpu.memref_squeeze %dma_wait3A_1051 : memref<1x8x4x512xf32, #tpu.memory_space<vmem>> -> memref<8x4x512xf32, #tpu.memory_space<vmem>>
    tpu.wait_dma2 semaphore(%dma_wait3A_1044 : memref<!tpu.dma_semaphore, #tpu.memory_space<semaphore_mem>>) src(%dma_wait3A_1052 : memref<8x4x512xf32, #tpu.memory_space<vmem>>) dst(%dma_wait3A_1047 : memref<8x4x512xf32, #tpu.memory_space<hbm>>)
    %dma_wait3A_1053 = arith.constant 0 : i32
    %dma_wait3A_1054 = arith.constant 0 : i32
    %dma_wait3A_1055 = arith.constant 0 : i32
    %dma_wait3A_1056 = arith.constant 0 : i32
    %dma_wait3A_1057 = arith.constant 0 : i32
    %dma_wait3A_1058 = tpu.memref_slice %arg6[%dma_wait3A_1053, %dma_wait3A_1055, %dma_wait3A_1056, %dma_wait3A_1057] : memref<6x8x4x512xf32, #tpu.memory_space<vmem>> -> memref<1x8x4x512xf32, #tpu.memory_space<vmem>>
    %dma_wait3A_1059 = tpu.memref_squeeze %dma_wait3A_1058 : memref<1x8x4x512xf32, #tpu.memory_space<vmem>> -> memref<8x4x512xf32, #tpu.memory_space<vmem>>
    %dma_wait3A_1060 = arith.constant 0 : i32
    %dma_wait3A_1061 = arith.constant 0 : i32
    %dma_wait3A_1062 = tpu.memref_slice %arg4[%add3A_901, %dma_wait3A_1060, %dma_wait3A_1061] : memref<4096x4x512xf32, #tpu.memory_space<hbm>> -> memref<8x4x512xf32, #tpu.memory_space<hbm>>
    %dma_wait3A_1063 = tpu.memref_slice %arg8[%dma_wait3A_1054] : memref<6x!tpu.dma_semaphore, #tpu.memory_space<semaphore_mem>> -> memref<1x!tpu.dma_semaphore, #tpu.memory_space<semaphore_mem>>
    %dma_wait3A_1064 = tpu.memref_squeeze %dma_wait3A_1063 : memref<1x!tpu.dma_semaphore, #tpu.memory_space<semaphore_mem>> -> memref<!tpu.dma_semaphore, #tpu.memory_space<semaphore_mem>>
    %dma_wait3A_1065 = arith.constant 0 : i32
    %dma_wait3A_1066 = arith.constant 0 : i32
    %dma_wait3A_1067 = tpu.memref_slice %arg4[%add3A_901, %dma_wait3A_1065, %dma_wait3A_1066] : memref<4096x4x512xf32, #tpu.memory_space<hbm>> -> memref<8x4x512xf32, #tpu.memory_space<hbm>>
    %dma_wait3A_1068 = arith.constant 0 : i32
    %dma_wait3A_1069 = arith.constant 0 : i32
    %dma_wait3A_1070 = arith.constant 0 : i32
    %dma_wait3A_1071 = tpu.memref_slice %arg6[%dma_wait3A_1053, %dma_wait3A_1068, %dma_wait3A_1069, %dma_wait3A_1070] : memref<6x8x4x512xf32, #tpu.memory_space<vmem>> -> memref<1x8x4x512xf32, #tpu.memory_space<vmem>>
    %dma_wait3A_1072 = tpu.memref_squeeze %dma_wait3A_1071 : memref<1x8x4x512xf32, #tpu.memory_space<vmem>> -> memref<8x4x512xf32, #tpu.memory_space<vmem>>
    tpu.wait_dma2 semaphore(%dma_wait3A_1064 : memref<!tpu.dma_semaphore, #tpu.memory_space<semaphore_mem>>) src(%dma_wait3A_1072 : memref<8x4x512xf32, #tpu.memory_space<vmem>>) dst(%dma_wait3A_1067 : memref<8x4x512xf32, #tpu.memory_space<hbm>>)
    %dma_wait3A_1073 = arith.constant 1 : i32
    %dma_wait3A_1074 = arith.constant 1 : i32
    %dma_wait3A_1075 = arith.constant 0 : i32
    %dma_wait3A_1076 = arith.constant 0 : i32
    %dma_wait3A_1077 = arith.constant 0 : i32
    %dma_wait3A_1078 = tpu.memref_slice %arg6[%dma_wait3A_1073, %dma_wait3A_1075, %dma_wait3A_1076, %dma_wait3A_1077] : memref<6x8x4x512xf32, #tpu.memory_space<vmem>> -> memref<1x8x4x512xf32, #tpu.memory_space<vmem>>
    %dma_wait3A_1079 = tpu.memref_squeeze %dma_wait3A_1078 : memref<1x8x4x512xf32, #tpu.memory_space<vmem>> -> memref<8x4x512xf32, #tpu.memory_space<vmem>>
    %dma_wait3A_1080 = arith.constant 0 : i32
    %dma_wait3A_1081 = arith.constant 0 : i32
    %dma_wait3A_1082 = tpu.memref_slice %arg4[%add3A_938, %dma_wait3A_1080, %dma_wait3A_1081] : memref<4096x4x512xf32, #tpu.memory_space<hbm>> -> memref<8x4x512xf32, #tpu.memory_space<hbm>>
    %dma_wait3A_1083 = tpu.memref_slice %arg8[%dma_wait3A_1074] : memref<6x!tpu.dma_semaphore, #tpu.memory_space<semaphore_mem>> -> memref<1x!tpu.dma_semaphore, #tpu.memory_space<semaphore_mem>>
    %dma_wait3A_1084 = tpu.memref_squeeze %dma_wait3A_1083 : memref<1x!tpu.dma_semaphore, #tpu.memory_space<semaphore_mem>> -> memref<!tpu.dma_semaphore, #tpu.memory_space<semaphore_mem>>
    %dma_wait3A_1085 = arith.constant 0 : i32
    %dma_wait3A_1086 = arith.constant 0 : i32
    %dma_wait3A_1087 = tpu.memref_slice %arg4[%add3A_938, %dma_wait3A_1085, %dma_wait3A_1086] : memref<4096x4x512xf32, #tpu.memory_space<hbm>> -> memref<8x4x512xf32, #tpu.memory_space<hbm>>
    %dma_wait3A_1088 = arith.constant 0 : i32
    %dma_wait3A_1089 = arith.constant 0 : i32
    %dma_wait3A_1090 = arith.constant 0 : i32
    %dma_wait3A_1091 = tpu.memref_slice %arg6[%dma_wait3A_1073, %dma_wait3A_1088, %dma_wait3A_1089, %dma_wait3A_1090] : memref<6x8x4x512xf32, #tpu.memory_space<vmem>> -> memref<1x8x4x512xf32, #tpu.memory_space<vmem>>
    %dma_wait3A_1092 = tpu.memref_squeeze %dma_wait3A_1091 : memref<1x8x4x512xf32, #tpu.memory_space<vmem>> -> memref<8x4x512xf32, #tpu.memory_space<vmem>>
    tpu.wait_dma2 semaphore(%dma_wait3A_1084 : memref<!tpu.dma_semaphore, #tpu.memory_space<semaphore_mem>>) src(%dma_wait3A_1092 : memref<8x4x512xf32, #tpu.memory_space<vmem>>) dst(%dma_wait3A_1087 : memref<8x4x512xf32, #tpu.memory_space<hbm>>)
    %dma_wait3A_1093 = arith.constant 2 : i32
    %dma_wait3A_1094 = arith.constant 2 : i32
    %dma_wait3A_1095 = arith.constant 0 : i32
    %dma_wait3A_1096 = arith.constant 0 : i32
    %dma_wait3A_1097 = arith.constant 0 : i32
    %dma_wait3A_1098 = tpu.memref_slice %arg6[%dma_wait3A_1093, %dma_wait3A_1095, %dma_wait3A_1096, %dma_wait3A_1097] : memref<6x8x4x512xf32, #tpu.memory_space<vmem>> -> memref<1x8x4x512xf32, #tpu.memory_space<vmem>>
    %dma_wait3A_1099 = tpu.memref_squeeze %dma_wait3A_1098 : memref<1x8x4x512xf32, #tpu.memory_space<vmem>> -> memref<8x4x512xf32, #tpu.memory_space<vmem>>
    %dma_wait3A_1100 = arith.constant 0 : i32
    %dma_wait3A_1101 = arith.constant 0 : i32
    %dma_wait3A_1102 = tpu.memref_slice %arg4[%add3A_975, %dma_wait3A_1100, %dma_wait3A_1101] : memref<4096x4x512xf32, #tpu.memory_space<hbm>> -> memref<8x4x512xf32, #tpu.memory_space<hbm>>
    %dma_wait3A_1103 = tpu.memref_slice %arg8[%dma_wait3A_1094] : memref<6x!tpu.dma_semaphore, #tpu.memory_space<semaphore_mem>> -> memref<1x!tpu.dma_semaphore, #tpu.memory_space<semaphore_mem>>
    %dma_wait3A_1104 = tpu.memref_squeeze %dma_wait3A_1103 : memref<1x!tpu.dma_semaphore, #tpu.memory_space<semaphore_mem>> -> memref<!tpu.dma_semaphore, #tpu.memory_space<semaphore_mem>>
    %dma_wait3A_1105 = arith.constant 0 : i32
    %dma_wait3A_1106 = arith.constant 0 : i32
    %dma_wait3A_1107 = tpu.memref_slice %arg4[%add3A_975, %dma_wait3A_1105, %dma_wait3A_1106] : memref<4096x4x512xf32, #tpu.memory_space<hbm>> -> memref<8x4x512xf32, #tpu.memory_space<hbm>>
    %dma_wait3A_1108 = arith.constant 0 : i32
    %dma_wait3A_1109 = arith.constant 0 : i32
    %dma_wait3A_1110 = arith.constant 0 : i32
    %dma_wait3A_1111 = tpu.memref_slice %arg6[%dma_wait3A_1093, %dma_wait3A_1108, %dma_wait3A_1109, %dma_wait3A_1110] : memref<6x8x4x512xf32, #tpu.memory_space<vmem>> -> memref<1x8x4x512xf32, #tpu.memory_space<vmem>>
    %dma_wait3A_1112 = tpu.memref_squeeze %dma_wait3A_1111 : memref<1x8x4x512xf32, #tpu.memory_space<vmem>> -> memref<8x4x512xf32, #tpu.memory_space<vmem>>
    tpu.wait_dma2 semaphore(%dma_wait3A_1104 : memref<!tpu.dma_semaphore, #tpu.memory_space<semaphore_mem>>) src(%dma_wait3A_1112 : memref<8x4x512xf32, #tpu.memory_space<vmem>>) dst(%dma_wait3A_1107 : memref<8x4x512xf32, #tpu.memory_space<hbm>>)
    %dma_wait3A_1113 = arith.constant 3 : i32
    %dma_wait3A_1114 = arith.constant 3 : i32
    %dma_wait3A_1115 = arith.constant 0 : i32
    %dma_wait3A_1116 = arith.constant 0 : i32
    %dma_wait3A_1117 = arith.constant 0 : i32
    %dma_wait3A_1118 = tpu.memref_slice %arg6[%dma_wait3A_1113, %dma_wait3A_1115, %dma_wait3A_1116, %dma_wait3A_1117] : memref<6x8x4x512xf32, #tpu.memory_space<vmem>> -> memref<1x8x4x512xf32, #tpu.memory_space<vmem>>
    %dma_wait3A_1119 = tpu.memref_squeeze %dma_wait3A_1118 : memref<1x8x4x512xf32, #tpu.memory_space<vmem>> -> memref<8x4x512xf32, #tpu.memory_space<vmem>>
    %dma_wait3A_1120 = arith.constant 0 : i32
    %dma_wait3A_1121 = arith.constant 0 : i32
    %dma_wait3A_1122 = tpu.memref_slice %arg4[%add3A_1012, %dma_wait3A_1120, %dma_wait3A_1121] : memref<4096x4x512xf32, #tpu.memory_space<hbm>> -> memref<8x4x512xf32, #tpu.memory_space<hbm>>
    %dma_wait3A_1123 = tpu.memref_slice %arg8[%dma_wait3A_1114] : memref<6x!tpu.dma_semaphore, #tpu.memory_space<semaphore_mem>> -> memref<1x!tpu.dma_semaphore, #tpu.memory_space<semaphore_mem>>
    %dma_wait3A_1124 = tpu.memref_squeeze %dma_wait3A_1123 : memref<1x!tpu.dma_semaphore, #tpu.memory_space<semaphore_mem>> -> memref<!tpu.dma_semaphore, #tpu.memory_space<semaphore_mem>>
    %dma_wait3A_1125 = arith.constant 0 : i32
    %dma_wait3A_1126 = arith.constant 0 : i32
    %dma_wait3A_1127 = tpu.memref_slice %arg4[%add3A_1012, %dma_wait3A_1125, %dma_wait3A_1126] : memref<4096x4x512xf32, #tpu.memory_space<hbm>> -> memref<8x4x512xf32, #tpu.memory_space<hbm>>
    %dma_wait3A_1128 = arith.constant 0 : i32
    %dma_wait3A_1129 = arith.constant 0 : i32
    %dma_wait3A_1130 = arith.constant 0 : i32
    %dma_wait3A_1131 = tpu.memref_slice %arg6[%dma_wait3A_1113, %dma_wait3A_1128, %dma_wait3A_1129, %dma_wait3A_1130] : memref<6x8x4x512xf32, #tpu.memory_space<vmem>> -> memref<1x8x4x512xf32, #tpu.memory_space<vmem>>
    %dma_wait3A_1132 = tpu.memref_squeeze %dma_wait3A_1131 : memref<1x8x4x512xf32, #tpu.memory_space<vmem>> -> memref<8x4x512xf32, #tpu.memory_space<vmem>>
    tpu.wait_dma2 semaphore(%dma_wait3A_1124 : memref<!tpu.dma_semaphore, #tpu.memory_space<semaphore_mem>>) src(%dma_wait3A_1132 : memref<8x4x512xf32, #tpu.memory_space<vmem>>) dst(%dma_wait3A_1127 : memref<8x4x512xf32, #tpu.memory_space<hbm>>)
    return
  }
}

</mosaic_0001>

<sc_bundles>
// kernel: kernel.3.cloned.1.call-start
scs
__scs_entry_jumppad:
0x0: {  	(pc) =	sbr.rel $0x88, $3  }
0x1: {  	(tag) =	ssettag $0x0;
	lr =	simm.s32 $0x1  }
0x2: {  	[smem:$0x3F9F] =	sst lr;
	_ =	strace $0xD0000000  }
0x3: {  	_ = 	snop  }
0x4: {  	_ = 	snop  }
0x5: {  	_ = 	snop  }
0x6: {  	_ = 	snop  }
0x7: {  	_ = 	snop  }
__scs_overlays_trampoline_lowered:
0x8: {  	[smem:$0x3FAE] =	sst s0  }
0x9: {  	[smem:$0x3FAF] =	sst s1  }
0xa: {  	[smem:$0x3FB0] =	sst s2  }
0xb: {  	[smem:$0x3FB1] =	sst s3  }
0xc: {  	[smem:$0x3FB2] =	sst s4  }
0xd: {  	[smem:$0x3FB3] =	sst s5  }
0xe: {  	[smem:$0x3FB4] =	sst s6  }
0xf: {  	[smem:$0x3FB5] =	sst s7  }
0x10: {  	[smem:$0x3FB6] =	sst s8  }
0x11: {  	[smem:$0x3FB7] =	sst s9;
	s0 =	simm.s32 @!p0 $0x0  }
0x12: {  	s1 =	sld [smem:$0x3F9D];
	s0 =	simm.s32 @p0 $0x1  }
0x13: {  	[smem:$0x3FB8] =	sst s0;
	s0 =	simm.s32 @!p1 $0x0  }
0x14: {  	s2 =	sld [smem:$0x3F9C];
	s0 =	simm.s32 @p1 $0x1  }
0x15: {  	[smem:$0x3FB9] =	sst s0;
	s0 =	simm.s32 @!p2 $0x0  }
0x16: {  	s3 =	sld [smem:$0x3FDB];
	s0 =	simm.s32 @p2 $0x1  }
0x17: {  	s4 =	simm.s32 $0x1BF5;
	[smem:$0x3FBB] =	sst s0  }
0x18: {  	s0 =	sld [smem:$0x3F9E];
	_ =	swait.ge [sflag:s4], $0x0  }
0x19: {  	s7 =	sld [smem:$0x3F9F]  }
0x1a: {  	s8 =	sadd.s32 $0xFFFFE003, lr  }
0x1b: {  	s9 =	sadd.s32 $0xFFFFFEF7, lr;
	s5 =	simm.s32 $0xFFFFFFFF;
	p2 =	slt.u32 s8, $0xFFFFF086  }
0x1c: {  	p1 =	slt.u32 s9, $0xF7A;
	s5 =	simm.s32 @!p2 $0x0  }
0x1d: {  	s5 =	simm.s32 @p1 $0x1;
	p0 =	seq.s32 s7, s2  }
0x1e: {  	s7 =	smul.u32 @!p0 $0xF7A, s2;
	p2 =	seq.s32 @!p0 s5, $0x0  }
0x1f: {  	s9 =	smul.u32 $0xF7A, s1;
	s8 =	simm.s32 @!p0 $0x1BF5;
	p2 =	por !p2, p0  }
0x20: {  	[sflag:s8] =	ssyncset.s32 @!p0 $0xFFFFF086;
	s6 =	sadd.s32 @!p0 s3, s7;
	s7 =	simm.s32 @!p0 $0x108  }
0x21: {  	s3 =	sadd.s32 s3, s9;
	s6 =	sadd.s32 @!p0 $0x88, s6;
	s7 =	simm.s32 @p2 $0x1082  }
0x22: {  	[simem:s7], [sflag:s8] =	dma.local @!p0 [hbm:s6], $0xF7A  }
0x23: {  	s9 =	sor.u32 $0xD0000000, s2;
	s6 =	simm.s32 $0x108;
	_ =	swait.ge @!p0 [sflag:s8], $0x0  }
0x24: {  	s3 =	sadd.s32 $0x88, s3;
	s6 =	simm.s32 @!p1 $0x1082;
	[sflag:s4] =	ssyncset.s32 $0xFFFFF086  }
0x25: {  	[simem:s6], [sflag:s4] =	dma.local [hbm:s3], $0xF7A  }
0x26: {  	[smem:$0x3F9F] =	sst s1;
	(tag) =	ssettag s2;
	_ =	strace s9  }
0x27: {  	s1 =	sld [smem:$0x3FAF]  }
0x28: {  	s2 =	sld [smem:$0x3FB0]  }
0x29: {  	s4 =	sld [smem:$0x3FB2]  }
0x2a: {  	p0 =	seq.s32 s5, $0x0;
	s5 =	sld [smem:$0x3FB3]  }
0x2b: {  	s6 =	sld [smem:$0x3FB4]  }
0x2c: {  	s7 =	sld [smem:$0x3FB5]  }
0x2d: {  	s3 =	simm.s32 $0x108;
	s8 =	sld [smem:$0x3FB6]  }
0x2e: {  	s3 =	simm.s32 @!p0 $0x1082;
	s9 =	sld [smem:$0x3FB7]  }
0x2f: {  	lr =	sadd.s32 s0, s3;
	s0 =	sld [smem:$0x3FAE]  }
0x30: {  	s3 =	sld [smem:$0x3FB1]  }
0x31: {  	[smem:$0x3FBA] =	sst s10  }
0x32: {  	s10 =	sld [smem:$0x3FB8];
	_ =	sdelay $0x3  }
0x33: {  	p0 =	seq.s32 s10, $0x1;
	s10 =	sld [smem:$0x3FBA];
	_ =	sdelay $0x3  }
0x34: {  	[smem:$0x3FBA] =	sst s10  }
0x35: {  	s10 =	sld [smem:$0x3FB9];
	_ =	sdelay $0x3  }
0x36: {  	p1 =	seq.s32 s10, $0x1;
	s10 =	sld [smem:$0x3FBA];
	_ =	sdelay $0x3  }
0x37: {  	[smem:$0x3FBA] =	sst s10  }
0x38: {  	s10 =	sld [smem:$0x3FBB]  }
0x39: {  	_ = 	snop;
	(pc) =	sbr.ind lr, $3  }
0x3a: {  	_ = 	snop  }
0x3b: {  	_ = 	snop  }
0x3c: {  	p2 =	seq.s32 s10, $0x1;
	s10 =	sld [smem:$0x3FBA]  }
0x3d: {  	_ =	shalt  }
0x3e: {  	_ =	shalt  }
0x3f: {  	_ =	shalt  }
0x40: {  	_ =	shalt  }
0x41: {  	_ =	shalt  }
0x42: {  	_ =	shalt  }
0x43: {  	_ =	shalt  }
0x44: {  	_ =	shalt  }
0x45: {  	_ =	shalt  }
0x46: {  	_ =	shalt  }
0x47: {  	_ =	shalt  }
0x48: {  	_ =	shalt  }
0x49: {  	_ =	shalt  }
0x4a: {  	_ =	shalt  }
0x4b: {  	_ =	shalt  }
0x4c: {  	_ =	shalt  }
0x4d: {  	_ =	shalt  }
0x4e: {  	_ =	shalt  }
0x4f: {  	_ =	shalt  }
0x50: {  	_ =	shalt  }
0x51: {  	_ =	shalt  }
0x52: {  	_ =	shalt  }
0x53: {  	_ =	shalt  }
0x54: {  	_ =	shalt  }
0x55: {  	_ =	shalt  }
0x56: {  	_ =	shalt  }
0x57: {  	_ =	shalt  }
0x58: {  	_ =	shalt  }
0x59: {  	_ =	shalt  }
0x5a: {  	_ =	shalt  }
0x5b: {  	_ =	shalt  }
0x5c: {  	_ =	shalt  }
0x5d: {  	_ =	shalt  }
0x5e: {  	_ =	shalt  }
0x5f: {  	_ =	shalt  }
0x60: {  	_ =	shalt  }
0x61: {  	_ =	shalt  }
0x62: {  	_ =	shalt  }
0x63: {  	_ =	shalt  }
0x64: {  	_ =	shalt  }
0x65: {  	_ =	shalt  }
0x66: {  	_ =	shalt  }
0x67: {  	_ =	shalt  }
0x68: {  	_ =	shalt  }
0x69: {  	_ =	shalt  }
0x6a: {  	_ =	shalt  }
0x6b: {  	_ =	shalt  }
0x6c: {  	_ =	shalt  }
0x6d: {  	_ =	shalt  }
0x6e: {  	_ =	shalt  }
0x6f: {  	_ =	shalt  }
0x70: {  	_ =	shalt  }
0x71: {  	_ =	shalt  }
0x72: {  	_ =	shalt  }
0x73: {  	_ =	shalt  }
0x74: {  	_ =	shalt  }
0x75: {  	_ =	shalt  }
0x76: {  	_ =	shalt  }
0x77: {  	_ =	shalt  }
0x78: {  	_ =	shalt  }
0x79: {  	_ =	shalt  }
0x7a: {  	_ =	shalt  }
0x7b: {  	_ =	shalt  }
0x7c: {  	_ =	shalt  }
0x7d: {  	_ =	shalt  }
0x7e: {  	_ =	shalt  }
0x7f: {  	_ =	shalt  }
0x80: {  	_ =	shalt  }
0x81: {  	_ =	shalt  }
0x82: {  	_ =	shalt  }
0x83: {  	_ =	shalt  }
0x84: {  	_ =	shalt  }
0x85: {  	_ =	shalt  }
0x86: {  	_ =	shalt  }
0x87: {  	_ =	shalt  }
.Lfunc_end0:
.L_simem_size_0:
called_computation_lowered:
.L_overlay_start_0:
0x88: {  	s2 =	sld [smem:$0x3FD9]  }
0x89: {  	s3 =	sld [smem:$0x3FFE];
	_ =	sdelay $0x1  }
0x8a: {  	s1 =	srdreg.scid  }
0x8b: {  	s0 =	sand.u32 $0x1, s1  }
0x8c: {  	s18 =	sshll.u32 s0, $0xA;
	s2 =	sadd.s32 s3, s2  }
0x8d: {  	s2 =	sadd.s32 s2, s18  }
0x8e: {  	[smem:$0x3FC6] =	sst s2  }
0x8f: {  	_ = 	snop  }
0x90: {  	s2 =	sld [smem:$0x3FC9]  }
0x91: {  	s19 =	sld [smem:$0x3FC8]  }
0x92: {  	s4 =	sld [smem:$0x3FD0];
	(tm) =	ssettm $0x1  }
0x93: {  	s5 =	sld [smem:$0x3FFB];
	_ =	sdelay $0x3  }
0x94: {  	_ =	strace s5  }
0x95: {  	s5 =	sld [smem:$0x3FFC];
	_ =	sdelay $0x3  }
0x96: {  	_ =	strace s5  }
0x97: {  	s5 =	sld [smem:$0x3FFD];
	_ =	sdelay $0x3  }
0x98: {  	_ =	strace s5  }
0x99: {  	_ =	strace $0x8FFFFFFF  }
0x9a: {  	s20 =	sld [smem:$0x3FDB];
	_ =	sdelay $0x1  }
0x9b: {  	s6 =	simm.s32 $_scs_section_size  }
0x9c: {  	s7 =	simm.s32 $_size__tile_overlayer_lowered;
	s8 =	simm.s32 $_tile_overlayer_lowered  }
0x9d: {  	s23 =	simm.s32 $0x1BFF;
	s22 =	sshll.u32 s8, $0x1;
	s5 =	sadd.s32 s6, s20  }
0x9e: {  	s9 =	simm.s32 $0x0;
	s21 =	sshll.u32 s7, $0x1;
	s7 =	sadd.s32 s22, s5  }
0x9f: {  	[timem:s9], [sflag:s23] =	dma.local [hbm:s7], s21  }
0xa0: {  	_ =	swait.ge [sflag:s23], s21  }
0xa1: {  	s6 =	ssub.s32 $0x0, s21;
	[sflag:s23] =	ssyncset.done $0x0  }
0xa2: {  	[sflag:s23] =	ssyncadd.s32 s6;
	_ =	sdelay $0x1  }
0xa3: {  	s24 =	simm.s32 $0x1B8B  }
0xa4: {  	_ =	swait.ge [sflag:s24], $0x1  }
0xa5: {  	[sflag:s24] =	ssyncset.done $0x0  }
0xa6: {  	s25 =	simm.s32 $0x1B8E;
	[sflag:s24] =	ssyncadd.s32 $0xFFFFFFFF  }
0xa7: {  	s26 =	simm.s32 $execute0_lowered;
	[smem:$0x3FD2] =	sst s25  }
0xa8: {  	s6 =	sshll.u32 s26, $0x1;
	_ =	strace $0x80000046;
	[dreg:$0x1] =	wrdreg $0xFFFFFFFF  }
0xa9: {  	s28 =	simm.s32 $_size_execute0_lowered;
	s5 =	sadd.s32 s5, s6;
	[dreg:$0x0] =	wrdreg $0x0  }
0xaa: {  	s6 =	sshll.u32 s28, $0x1;
	[dreg:$0x2] =	wrdreg s5  }
0xab: {  	[dreg:$0x3] =	wrdreg s6  }
0xac: {  	[dreg:$0x4] =	wrdreg $0xC0  }
0xad: {  	_ =	task [dreg:s9], $0x5FFFF  }
0xae: {  	[dreg:$0x1] =	wrdreg $0xFFFFFFFF  }
0xaf: {  	[dreg:$0x0] =	wrdreg $0x60  }
0xb0: {  	[dreg:$0x2] =	wrdreg s2  }
0xb1: {  	[dreg:$0x3] =	wrdreg s19  }
0xb2: {  	[dreg:$0x4] =	wrdreg s4  }
0xb3: {  	[dreg:$0x5] =	wrdreg $0x9  }
0xb4: {  	_ =	task.clear_ibuf [dreg:s9], $0x6FFFF;
	_ =	strace $0x90000046  }
0xb5: {  	s29 =	simm.s32 $0x9;
	_ =	strace $0x80000048  }
0xb6: {  	_ =	swait.ge [sflag:s29], $0x1  }
0xb7: {  	[sflag:s29] =	ssyncadd.s32 $0xFFFFFFFF  }
0xb8: {  	_ =	strace $0x90000048  }
0xb9: {  	_ =	sfence  }
0xba: {  	s30 =	sld [smem:$0x0];
	_ =	sdelay $0x2  }
0xbb: {  	s31 =	sshll.u32 s1, $0xD;
	s1 =	sshrl.u32 s1, $0x2  }
0xbc: {  	s3 =	sand.u32 $0x4000, s31;
	s1 =	sadd.s32 s1, s30  }
0xbd: {  	s0 =	sor.u32 s3, s0;
	s1 =	sshll.u32 s1, $0x11  }
0xbe: {  	s0 =	sor.u32 s1, s0  }
0xbf: {  	s0 =	sadd.s32 $0x8F2B, s0  }
0xc0: {  	[sflag:s0] =	ssyncadd.remote.s32 $0x1  }
0xc1: {  	_ =	sfence.sel $0xFFFF  }
0xc2: {  	[dreg:$0x0] =	wrdreg $0xFFFFFFFF;
	(pc) =	sbr.abs _section_cstart, $3  }
0xc3: {  	[dreg:$0x1] =	wrdreg $0xFFFFFFFF  }
0xc4: {  	_ =	task.clear_ibuf [dreg:s9], $0x2FFFF;
	_ =	strace $0x9FFFFFFF  }
0xc5: {  	(tm) =	ssettm $0x7FFFFFFF  }
tec
execute0_lowered:
.L_overlay_start_1:
0x0: {  	(tag) =	ssettag $0x1  }
0x1: {  	s1 =	rddreg [dreg:$0x0]  }
0x2: {  	s3 =	srdreg.scid;
	s2 =	rddreg [dreg:$0x1]  }
0x3: {  	s0 =	stileid.u32;
	s4 =	rddreg [dreg:$0x2];
	s13 =	simm.s32 $0xD  }
0x4: {  	s14 =	simm.s32 $0x80;
	s15 =	simm.s32 $0x4080;
	s16 =	simm.s32 $0x8080  }
0x5: {  	s17 =	simm.s32 $0xC080;
	s28 =	simm.s32 $0xA;
	s29 =	simm.s32 $0x5  }
0x6: {  	s30 =	simm.s32 $0xB;
	s31 =	simm.s32 $0x6;
	s5 =	sand.u32 $0x1, s3  }
0x7: {  	s7 =	sshll.u32 s0, $0x7;
	s3 =	simm.s32 $0x0;
	s6 =	sshll.u32 s5, $0xB  }
0x8: {  	[smem:$0x7FF] =	sst s3;
	s5 =	ssub.s32 $0x2, s5;
	s6 =	sor.u32 s7, s6  }
0x9: {  	_ =	strace $0x80000047;
	s25 =	sshrl.u32 s5, $0x1;
	s7 =	sshrl.u32 s6, $0x3  }
0xa: {  	s6 =	sshll.u32 s6, $0x8;
	s12 =	ssub.s32 s5, s25;
	s25 =	simm.s32 $0x9  }
0xb: {  	s1 =	sadd.s32 s1, s7;
	s4 =	sadd.s32 s4, s6;
	s12 =	smax.u32 s12, $0x1  }
0xc: {  	[dreg:$0x4] =	wrdreg s1;
	s18 =	sadd.s32 $0x800, s4;
	s19 =	sadd.s32 $0x1000, s4  }
0xd: {  	s20 =	sadd.s32 $0x1800, s4;
	s21 =	sadd.s32 $0x2000, s4;
	[dreg:$0x5] =	wrdreg s18  }
0xe: {  	s22 =	sadd.s32 $0x2800, s4;
	s23 =	sadd.s32 $0x3000, s4;
	[dreg:$0x6] =	wrdreg s19  }
0xf: {  	s24 =	sadd.s32 $0x3800, s4;
	s26 =	sadd.s32 $0x4000, s4;
	[dreg:$0x7] =	wrdreg s20  }
0x10: {  	s5 =	sadd.s32 $0x4800, s4;
	s6 =	sadd.s32 $0x5000, s4;
	[dreg:$0x8] =	wrdreg s21  }
0x11: {  	s7 =	sadd.s32 $0x5800, s4;
	s8 =	sadd.s32 $0x6000, s4;
	[dreg:$0x9] =	wrdreg s22  }
0x12: {  	s9 =	sadd.s32 $0x6800, s4;
	s10 =	sadd.s32 $0x7000, s4;
	[dreg:$0xa] =	wrdreg s23  }
0x13: {  	s11 =	sadd.s32 $0x7800, s4;
	s1 =	simm.s32 $0xC;
	[dreg:$0xb] =	wrdreg s24  }
0x14: {  	[dreg:$0xc] =	wrdreg s26;
	s18 =	simm.s32 $0x10080;
	s19 =	simm.s32 $0x14080  }
0x15: {  	s20 =	simm.s32 $0x1;
	s21 =	simm.s32 $0x7;
	s22 =	simm.s32 $0x2  }
0x16: {  	vm0 =	vmmov $0xff;
	v0 =	vlaneseq.u32;
	s23 =	simm.s32 $0x8;
	s24 =	simm.s32 $0x3;
	s26 =	simm.s32 $0x4  }
.LBB2_1:
0x17: {  	s0 =	rddreg [dreg:$0x4]  }
0x18: {  	[tilespmem:s3], [sflag:$0xD] =	stream.linear.gather [hbm4b:s0+s3], $0x80, $0x38;
	[tilespmem:$0x18080] =	vst v63  }
0x19: {  	_ =	swait.ge [sflag:s13], $0x80  }
0x1a: {  	[sflag:s13] =	ssyncset.done $0x0  }
0x1b: {  	[sflag:s13] =	ssyncadd.s32 $0xFFFFFF80  }
0x1c: {  	v1 =	vld.msk [tilespmem:$0x0], $0xff;
	_ =	sdelay $0x4  }
0x1d: {  	v1 =	vshll.u32 v1, $0xB  }
0x1e: {  	v1 =	vperm.xlane v1, v0;
	_ =	sdelay $0x5  }
0x1f: {  	[tilespmem:s14], [sflag:$0x1] =	stream.indirect_vreg.gather [hbm4b:s2+s3], $0x800, v1, vm0, $0x38;
	[tilespmem:$0x18080] =	vst v63  }
0x20: {  	v1 =	vld.msk [tilespmem:$0x8], $0xff;
	_ =	sdelay $0x4  }
0x21: {  	v1 =	vshll.u32 v1, $0xB  }
0x22: {  	v1 =	vperm.xlane v1, v0;
	_ =	sdelay $0x5  }
0x23: {  	[tilespmem:s15], [sflag:$0x2] =	stream.indirect_vreg.gather [hbm4b:s2+s3], $0x800, v1, vm0, $0x38;
	[tilespmem:$0x18080] =	vst v63  }
0x24: {  	v1 =	vld.msk [tilespmem:$0x10], $0xff;
	_ =	sdelay $0x4  }
0x25: {  	v1 =	vshll.u32 v1, $0xB  }
0x26: {  	v1 =	vperm.xlane v1, v0;
	_ =	sdelay $0x5  }
0x27: {  	[tilespmem:s16], [sflag:$0x3] =	stream.indirect_vreg.gather [hbm4b:s2+s3], $0x800, v1, vm0, $0x38;
	[tilespmem:$0x18080] =	vst v63  }
0x28: {  	v1 =	vld.msk [tilespmem:$0x18], $0xff;
	_ =	sdelay $0x4  }
0x29: {  	v1 =	vshll.u32 v1, $0xB  }
0x2a: {  	v1 =	vperm.xlane v1, v0;
	_ =	sdelay $0x5  }
0x2b: {  	[tilespmem:s17], [sflag:$0x4] =	stream.indirect_vreg.gather [hbm4b:s2+s3], $0x800, v1, vm0, $0x38;
	[tilespmem:$0x18080] =	vst v63  }
0x2c: {  	v1 =	vld.msk [tilespmem:$0x20], $0xff;
	_ =	sdelay $0x4  }
0x2d: {  	v1 =	vshll.u32 v1, $0xB  }
0x2e: {  	v1 =	vperm.xlane v1, v0;
	_ =	sdelay $0x5  }
0x2f: {  	[tilespmem:s18], [sflag:$0x5] =	stream.indirect_vreg.gather [hbm4b:s2+s3], $0x800, v1, vm0, $0x38;
	[tilespmem:$0x18080] =	vst v63  }
0x30: {  	v1 =	vld.msk [tilespmem:$0x28], $0xff;
	_ =	sdelay $0x4  }
0x31: {  	v1 =	vshll.u32 v1, $0xB  }
0x32: {  	v1 =	vperm.xlane v1, v0;
	_ =	sdelay $0x5  }
0x33: {  	[tilespmem:s19], [sflag:$0x6] =	stream.indirect_vreg.gather [hbm4b:s2+s3], $0x800, v1, vm0, $0x38;
	[tilespmem:$0x18080] =	vst v63  }
0x34: {  	_ =	swait.ge [sflag:s20], $0x4000  }
0x35: {  	[sflag:s20] =	ssyncset.done $0x0  }
0x36: {  	[sflag:s20] =	ssyncadd.s32 $0xFFFFC000  }
0x37: {  	[hbm4b:s4+s3] =	stream.linear.scatter [tilespmem:s14], [sflag:$0x7], $0x4000, $0x38;
	[tilespmem:$0x18080] =	vst v63  }
0x38: {  	_ =	swait.ge [sflag:s21], $0x4000  }
0x39: {  	[sflag:s21] =	ssyncset.done $0x0  }
0x3a: {  	[sflag:s21] =	ssyncadd.s32 $0xFFFFC000  }
0x3b: {  	v1 =	vld.msk [tilespmem:$0x30], $0xff;
	_ =	sdelay $0x4  }
0x3c: {  	v1 =	vshll.u32 v1, $0xB  }
0x3d: {  	v1 =	vperm.xlane v1, v0;
	_ =	sdelay $0x5  }
0x3e: {  	[tilespmem:s14], [sflag:$0x1] =	stream.indirect_vreg.gather [hbm4b:s2+s3], $0x800, v1, vm0, $0x38;
	[tilespmem:$0x18080] =	vst v63  }
0x3f: {  	_ =	swait.ge [sflag:s22], $0x4000  }
0x40: {  	[sflag:s22] =	ssyncset.done $0x0  }
0x41: {  	s0 =	rddreg [dreg:$0x5];
	[sflag:s22] =	ssyncadd.s32 $0xFFFFC000  }
0x42: {  	[hbm4b:s0+s3] =	stream.linear.scatter [tilespmem:s15], [sflag:$0x8], $0x4000, $0x38;
	[tilespmem:$0x18080] =	vst v63  }
0x43: {  	_ =	swait.ge [sflag:s23], $0x4000  }
0x44: {  	[sflag:s23] =	ssyncset.done $0x0  }
0x45: {  	[sflag:s23] =	ssyncadd.s32 $0xFFFFC000  }
0x46: {  	v1 =	vld.msk [tilespmem:$0x38], $0xff;
	_ =	sdelay $0x4  }
0x47: {  	v1 =	vshll.u32 v1, $0xB  }
0x48: {  	v1 =	vperm.xlane v1, v0;
	_ =	sdelay $0x5  }
0x49: {  	[tilespmem:s15], [sflag:$0x2] =	stream.indirect_vreg.gather [hbm4b:s2+s3], $0x800, v1, vm0, $0x38;
	[tilespmem:$0x18080] =	vst v63  }
0x4a: {  	_ =	swait.ge [sflag:s24], $0x4000  }
0x4b: {  	[sflag:s24] =	ssyncset.done $0x0  }
0x4c: {  	s0 =	rddreg [dreg:$0x6];
	[sflag:s24] =	ssyncadd.s32 $0xFFFFC000  }
0x4d: {  	[hbm4b:s0+s3] =	stream.linear.scatter [tilespmem:s16], [sflag:$0x9], $0x4000, $0x38;
	[tilespmem:$0x18080] =	vst v63  }
0x4e: {  	_ =	swait.ge [sflag:s25], $0x4000  }
0x4f: {  	[sflag:s25] =	ssyncset.done $0x0  }
0x50: {  	[sflag:s25] =	ssyncadd.s32 $0xFFFFC000  }
0x51: {  	v1 =	vld.msk [tilespmem:$0x40], $0xff;
	_ =	sdelay $0x4  }
0x52: {  	v1 =	vshll.u32 v1, $0xB  }
0x53: {  	v1 =	vperm.xlane v1, v0;
	_ =	sdelay $0x5  }
0x54: {  	[tilespmem:s16], [sflag:$0x3] =	stream.indirect_vreg.gather [hbm4b:s2+s3], $0x800, v1, vm0, $0x38;
	[tilespmem:$0x18080] =	vst v63  }
0x55: {  	_ =	swait.ge [sflag:s26], $0x4000  }
0x56: {  	[sflag:s26] =	ssyncset.done $0x0  }
0x57: {  	s0 =	rddreg [dreg:$0x7];
	[sflag:s26] =	ssyncadd.s32 $0xFFFFC000  }
0x58: {  	[hbm4b:s0+s3] =	stream.linear.scatter [tilespmem:s17], [sflag:$0xA], $0x4000, $0x38;
	[tilespmem:$0x18080] =	vst v63  }
0x59: {  	_ =	swait.ge [sflag:s28], $0x4000  }
0x5a: {  	[sflag:s28] =	ssyncset.done $0x0  }
0x5b: {  	[sflag:s28] =	ssyncadd.s32 $0xFFFFC000  }
0x5c: {  	v1 =	vld.msk [tilespmem:$0x48], $0xff;
	_ =	sdelay $0x4  }
0x5d: {  	v1 =	vshll.u32 v1, $0xB  }
0x5e: {  	v1 =	vperm.xlane v1, v0;
	_ =	sdelay $0x5  }
0x5f: {  	[tilespmem:s17], [sflag:$0x4] =	stream.indirect_vreg.gather [hbm4b:s2+s3], $0x800, v1, vm0, $0x38;
	[tilespmem:$0x18080] =	vst v63  }
0x60: {  	_ =	swait.ge [sflag:s29], $0x4000  }
0x61: {  	[sflag:s29] =	ssyncset.done $0x0  }
0x62: {  	s0 =	rddreg [dreg:$0x8];
	[sflag:s29] =	ssyncadd.s32 $0xFFFFC000  }
0x63: {  	[hbm4b:s0+s3] =	stream.linear.scatter [tilespmem:s18], [sflag:$0xB], $0x4000, $0x38;
	[tilespmem:$0x18080] =	vst v63  }
0x64: {  	_ =	swait.ge [sflag:s30], $0x4000  }
0x65: {  	[sflag:s30] =	ssyncset.done $0x0  }
0x66: {  	[sflag:s30] =	ssyncadd.s32 $0xFFFFC000  }
0x67: {  	v1 =	vld.msk [tilespmem:$0x50], $0xff;
	_ =	sdelay $0x4  }
0x68: {  	v1 =	vshll.u32 v1, $0xB  }
0x69: {  	v1 =	vperm.xlane v1, v0;
	_ =	sdelay $0x5  }
0x6a: {  	[tilespmem:s18], [sflag:$0x5] =	stream.indirect_vreg.gather [hbm4b:s2+s3], $0x800, v1, vm0, $0x38;
	[tilespmem:$0x18080] =	vst v63  }
0x6b: {  	_ =	swait.ge [sflag:s31], $0x4000  }
0x6c: {  	[sflag:s31] =	ssyncset.done $0x0  }
0x6d: {  	s0 =	rddreg [dreg:$0x9];
	[sflag:s31] =	ssyncadd.s32 $0xFFFFC000  }
0x6e: {  	[hbm4b:s0+s3] =	stream.linear.scatter [tilespmem:s19], [sflag:$0xC], $0x4000, $0x38;
	[tilespmem:$0x18080] =	vst v63  }
0x6f: {  	_ =	swait.ge [sflag:s1], $0x4000  }
0x70: {  	[sflag:s1] =	ssyncset.done $0x0  }
0x71: {  	[sflag:s1] =	ssyncadd.s32 $0xFFFFC000  }
0x72: {  	v1 =	vld.msk [tilespmem:$0x58], $0xff;
	_ =	sdelay $0x4  }
0x73: {  	v1 =	vshll.u32 v1, $0xB  }
0x74: {  	v1 =	vperm.xlane v1, v0;
	_ =	sdelay $0x5  }
0x75: {  	[tilespmem:s19], [sflag:$0x6] =	stream.indirect_vreg.gather [hbm4b:s2+s3], $0x800, v1, vm0, $0x38;
	[tilespmem:$0x18080] =	vst v63  }
0x76: {  	_ =	swait.ge [sflag:s20], $0x4000  }
0x77: {  	[sflag:s20] =	ssyncset.done $0x0  }
0x78: {  	s0 =	rddreg [dreg:$0xa];
	[sflag:s20] =	ssyncadd.s32 $0xFFFFC000  }
0x79: {  	[hbm4b:s0+s3] =	stream.linear.scatter [tilespmem:s14], [sflag:$0x7], $0x4000, $0x38;
	[tilespmem:$0x18080] =	vst v63  }
0x7a: {  	_ =	swait.ge [sflag:s21], $0x4000  }
0x7b: {  	[sflag:s21] =	ssyncset.done $0x0  }
0x7c: {  	[sflag:s21] =	ssyncadd.s32 $0xFFFFC000  }
0x7d: {  	v1 =	vld.msk [tilespmem:$0x60], $0xff;
	_ =	sdelay $0x4  }
0x7e: {  	v1 =	vshll.u32 v1, $0xB  }
0x7f: {  	v1 =	vperm.xlane v1, v0;
	_ =	sdelay $0x5  }
0x80: {  	[tilespmem:s14], [sflag:$0x1] =	stream.indirect_vreg.gather [hbm4b:s2+s3], $0x800, v1, vm0, $0x38;
	[tilespmem:$0x18080] =	vst v63  }
0x81: {  	_ =	swait.ge [sflag:s22], $0x4000  }
0x82: {  	[sflag:s22] =	ssyncset.done $0x0  }
0x83: {  	s0 =	rddreg [dreg:$0xb];
	[sflag:s22] =	ssyncadd.s32 $0xFFFFC000  }
0x84: {  	[hbm4b:s0+s3] =	stream.linear.scatter [tilespmem:s15], [sflag:$0x8], $0x4000, $0x38;
	[tilespmem:$0x18080] =	vst v63  }
0x85: {  	_ =	swait.ge [sflag:s23], $0x4000  }
0x86: {  	[sflag:s23] =	ssyncset.done $0x0  }
0x87: {  	[sflag:s23] =	ssyncadd.s32 $0xFFFFC000  }
0x88: {  	v1 =	vld.msk [tilespmem:$0x68], $0xff;
	_ =	sdelay $0x4  }
0x89: {  	v1 =	vshll.u32 v1, $0xB  }
0x8a: {  	v1 =	vperm.xlane v1, v0;
	_ =	sdelay $0x5  }
0x8b: {  	[tilespmem:s15], [sflag:$0x2] =	stream.indirect_vreg.gather [hbm4b:s2+s3], $0x800, v1, vm0, $0x38;
	[tilespmem:$0x18080] =	vst v63  }
0x8c: {  	_ =	swait.ge [sflag:s24], $0x4000  }
0x8d: {  	[sflag:s24] =	ssyncset.done $0x0  }
0x8e: {  	s0 =	rddreg [dreg:$0xc];
	[sflag:s24] =	ssyncadd.s32 $0xFFFFC000  }
0x8f: {  	[hbm4b:s0+s3] =	stream.linear.scatter [tilespmem:s16], [sflag:$0x9], $0x4000, $0x38;
	[tilespmem:$0x18080] =	vst v63  }
0x90: {  	_ =	swait.ge [sflag:s25], $0x4000  }
0x91: {  	[sflag:s25] =	ssyncset.done $0x0  }
0x92: {  	[sflag:s25] =	ssyncadd.s32 $0xFFFFC000  }
0x93: {  	v1 =	vld.msk [tilespmem:$0x70], $0xff;
	_ =	sdelay $0x4  }
0x94: {  	v1 =	vshll.u32 v1, $0xB  }
0x95: {  	v1 =	vperm.xlane v1, v0;
	_ =	sdelay $0x5  }
0x96: {  	[tilespmem:s16], [sflag:$0x3] =	stream.indirect_vreg.gather [hbm4b:s2+s3], $0x800, v1, vm0, $0x38;
	[tilespmem:$0x18080] =	vst v63  }
0x97: {  	_ =	swait.ge [sflag:s26], $0x4000  }
0x98: {  	[sflag:s26] =	ssyncset.done $0x0  }
0x99: {  	[sflag:s26] =	ssyncadd.s32 $0xFFFFC000  }
0x9a: {  	[hbm4b:s5+s3] =	stream.linear.scatter [tilespmem:s17], [sflag:$0xA], $0x4000, $0x38;
	[tilespmem:$0x18080] =	vst v63  }
0x9b: {  	_ =	swait.ge [sflag:s28], $0x4000  }
0x9c: {  	[sflag:s28] =	ssyncset.done $0x0  }
0x9d: {  	[sflag:s28] =	ssyncadd.s32 $0xFFFFC000  }
0x9e: {  	v1 =	vld.msk [tilespmem:$0x78], $0xff;
	_ =	sdelay $0x4  }
0x9f: {  	v1 =	vshll.u32 v1, $0xB  }
0xa0: {  	v1 =	vperm.xlane v1, v0;
	_ =	sdelay $0x5  }
0xa1: {  	[tilespmem:s17], [sflag:$0x4] =	stream.indirect_vreg.gather [hbm4b:s2+s3], $0x800, v1, vm0, $0x38;
	[tilespmem:$0x18080] =	vst v63  }
0xa2: {  	_ =	swait.ge [sflag:s29], $0x4000  }
0xa3: {  	[sflag:s29] =	ssyncset.done $0x0  }
0xa4: {  	[sflag:s29] =	ssyncadd.s32 $0xFFFFC000  }
0xa5: {  	[hbm4b:s6+s3] =	stream.linear.scatter [tilespmem:s18], [sflag:$0xB], $0x4000, $0x38;
	[tilespmem:$0x18080] =	vst v63  }
0xa6: {  	_ =	swait.ge [sflag:s31], $0x4000  }
0xa7: {  	[sflag:s31] =	ssyncset.done $0x0  }
0xa8: {  	[sflag:s31] =	ssyncadd.s32 $0xFFFFC000  }
0xa9: {  	[hbm4b:s7+s3] =	stream.linear.scatter [tilespmem:s19], [sflag:$0xC], $0x4000, $0x38;
	[tilespmem:$0x18080] =	vst v63  }
0xaa: {  	_ =	swait.ge [sflag:s20], $0x4000  }
0xab: {  	[sflag:s20] =	ssyncset.done $0x0  }
0xac: {  	[sflag:s20] =	ssyncadd.s32 $0xFFFFC000  }
0xad: {  	[hbm4b:s8+s3] =	stream.linear.scatter [tilespmem:s14], [sflag:$0x7], $0x4000, $0x38;
	[tilespmem:$0x18080] =	vst v63  }
0xae: {  	_ =	swait.ge [sflag:s22], $0x4000  }
0xaf: {  	[sflag:s22] =	ssyncset.done $0x0  }
0xb0: {  	[sflag:s22] =	ssyncadd.s32 $0xFFFFC000  }
0xb1: {  	[hbm4b:s9+s3] =	stream.linear.scatter [tilespmem:s15], [sflag:$0x8], $0x4000, $0x38;
	[tilespmem:$0x18080] =	vst v63  }
0xb2: {  	_ =	swait.ge [sflag:s24], $0x4000  }
0xb3: {  	[sflag:s24] =	ssyncset.done $0x0  }
0xb4: {  	[sflag:s24] =	ssyncadd.s32 $0xFFFFC000  }
0xb5: {  	[hbm4b:s10+s3] =	stream.linear.scatter [tilespmem:s16], [sflag:$0x9], $0x4000, $0x38;
	[tilespmem:$0x18080] =	vst v63  }
0xb6: {  	_ =	swait.ge [sflag:s26], $0x4000  }
0xb7: {  	[sflag:s26] =	ssyncset.done $0x0  }
0xb8: {  	[sflag:s26] =	ssyncadd.s32 $0xFFFFC000  }
0xb9: {  	[hbm4b:s11+s3] =	stream.linear.scatter [tilespmem:s17], [sflag:$0xA], $0x4000, $0x38;
	[tilespmem:$0x18080] =	vst v63  }
0xba: {  	_ =	swait.ge [sflag:s1], $0x4000  }
0xbb: {  	[sflag:s1] =	ssyncset.done $0x0  }
0xbc: {  	[sflag:s1] =	ssyncadd.s32 $0xFFFFC000  }
0xbd: {  	_ =	swait.ge [sflag:s21], $0x4000  }
0xbe: {  	[sflag:s21] =	ssyncset.done $0x0  }
0xbf: {  	[sflag:s21] =	ssyncadd.s32 $0xFFFFC000  }
0xc0: {  	_ =	swait.ge [sflag:s23], $0x4000  }
0xc1: {  	[sflag:s23] =	ssyncset.done $0x0  }
0xc2: {  	[sflag:s23] =	ssyncadd.s32 $0xFFFFC000  }
0xc3: {  	p0 =	sne.s32 s12, $0x1;
	_ =	swait.ge [sflag:s25], $0x4000  }
.Ltmp0:
0xc4: {  	[sflag:s25] =	ssyncset.done $0x0;
	(pc) =	sbr.rel @p0 .LBB2_1-.Ltmp0, $4  }
0xc5: {  	[sflag:s25] =	ssyncadd.s32 $0xFFFFC000  }
0xc6: {  	_ =	swait.ge [sflag:s28], $0x4000  }
0xc7: {  	[sflag:s28] =	ssyncset.done $0x0  }
0xc8: {  	s12 =	sadd.s32 $0xFFFFFFFF, s12;
	[sflag:s28] =	ssyncadd.s32 $0xFFFFC000  }
0xc9: {  	_ =	sfence.sel $0x180000  }
0xca: {  	[bflag:$0x0] =	sbarrier.arrive $0xFFFF  }
0xcb: {  	_ =	strace $0x90000047  }
0xcc: {  	s0 =	stileid.u32;
	[bflag:$0x2] =	sbarrier.arrive $0xFFFF  }
0xcd: {  	p0 =	sne.s32 s0, $0x0;
	s0 =	rddreg [dreg:$0x3]  }
0xce: {  	s0 =	sadd.s32 @!p0 $0x100000, s0  }
0xcf: {  	[sflag:s0] =	ssyncadd.tile.s32 @!p0 $0x1;
	_ =	shalt  }
.Lfunc_end2:
_tile_overlayer_lowered:
.L_overlay_start_2:
0xd0: {  	(tag) =	ssettag $0x2  }
0xd1: {  	s0 =	rddreg [dreg:$0x0];
	s2 =	stileid.u32  }
0xd2: {  	s1 =	rddreg [dreg:$0x1];
	p0 =	sne.s32 s2, $0x0  }
0xd3: {  	s3 =	rddreg [dreg:$0x2];
	[bflag:$0x3] =	sbarrier.arrive $0xFFFF;
	s2 =	simm.s32 @!p0 $0x1C0D  }
0xd4: {  	[timem:s3], [sflag:s2] =	dma.local @!p0 [hbm:s0], s1  }
0xd5: {  	s0 =	simm.s32 @!p0 $0xD  }
0xd6: {  	_ =	swait.ge @!p0 [sflag:s0], s1  }
0xd7: {  	s1 =	ssub.s32 @!p0 $0x0, s1;
	[sflag:s0] =	ssyncset.done @!p0 $0x0  }
0xd8: {  	[sflag:s0] =	ssyncadd.s32 @!p0 s1  }
0xd9: {  	[bflag:$0x3] =	sbarrier.arrive $0xFFFF  }
0xda: {  	_ =	shalt  }

</sc_bundles>
